<compile_context>
chip_gen: v7x
topology: tpu7x:2x2x1
jax: 0.10.2.dev20260603
libtpu: 0.0.44.dev20260713+nightly
codegen_flags: <defaults>
</compile_context>

<pallas_src>
import jax
import jax.numpy as jnp
from jax import lax
from jax.experimental import pallas as pl
from jax.experimental.pallas import tpu as pltpu
from jax.experimental.pallas import tpu_sc as plsc


B, L, V, D, NDOCS = 4096, 32, 30522, 768, 10
NEMBS = NDOCS + 1
NW = 32
RPW = B // NW
VPAD = 30528
D2 = D // 2
DCW = D2 // 16
BLK = 256
DBLK = 512
VBLK = 1272


def _softmax16(ew):
    e = jnp.exp(ew - jnp.max(ew))
    return e / jnp.sum(e)


def _pack_body(x_ref, o_ref):
    x = x_ref[...]
    a = x[:, :D2].astype(jnp.bfloat16)
    b = x[:, D2:].astype(jnp.bfloat16)
    au = lax.bitcast_convert_type(a, jnp.uint16).astype(jnp.uint32)
    bu = lax.bitcast_convert_type(b, jnp.uint16).astype(jnp.uint32)
    o_ref[...] = lax.bitcast_convert_type(au | (bu << 16), jnp.float32)


def _doc_body(ew_ref, d_ref, o_ref):
    ws = _softmax16(ew_ref[...])
    acc = ws[0:1, 1:2] * d_ref[:, 0:D].astype(jnp.float32)
    for k in range(1, NDOCS):
        acc = acc + ws[0:1, k + 1:k + 2] * (
            d_ref[:, k * D:(k + 1) * D].astype(jnp.float32))
    o_ref[...] = acc


def _combine_body(ew_ref, q_ref, dp_ref, o_ref):
    ws = _softmax16(ew_ref[...])
    u = lax.bitcast_convert_type(q_ref[...], jnp.uint32)
    lowf = lax.bitcast_convert_type(u << 16, jnp.float32)
    highf = lax.bitcast_convert_type(u & jnp.uint32(0xFFFF0000), jnp.float32)
    q1 = jnp.concatenate([lowf, highf], axis=1)
    o_ref[...] = ws[0:1, 0:1] * q1 + dp_ref[...]


def _sc_body(ids_hbm, table_hbm, tokw_hbm, out_hbm,
             tokw_v, ids_v,
             rows_v0, rows_v1, acc_v0, acc_v1,
             rsem0, rsem1, osem0, osem1):
    cid = lax.axis_index("c")
    sid = lax.axis_index("s")
    wid = sid * 2 + cid
    base = wid * RPW

    pltpu.sync_copy(tokw_hbm, tokw_v)
    pltpu.sync_copy(ids_hbm.at[pl.ds(base * L, RPW * L)], ids_v)

    def start_row(r, rowsbuf, rsem):
        off = pl.multiple_of(r * L, L)
        pltpu.make_async_copy(
            table_hbm.at[ids_v.at[pl.ds(off, L)]], rowsbuf, rsem).start()

    def wait_row(r, rowsbuf, rsem):
        off = pl.multiple_of(r * L, L)
        pltpu.make_async_copy(
            table_hbm.at[ids_v.at[pl.ds(off, L)]], rowsbuf, rsem).wait()

    def compute_row(r, rowsbuf, accbuf, osem, not_first):
        off = pl.multiple_of(r * L, L)
        i1 = ids_v[pl.ds(off, 16)]
        i2 = ids_v[pl.ds(off + 16, 16)]
        w1 = plsc.load_gather(tokw_v, [i1])
        w2 = plsc.load_gather(tokw_v, [i2])
        m = jnp.full((16,), jnp.max(jnp.maximum(w1, w2)))
        e1 = jnp.exp(w1 - m)
        e2 = jnp.exp(w2 - m)
        coef = jnp.full((16,), 1.0) / jnp.full((16,), jnp.sum(e1 + e2))
        e1 = e1 * coef
        e2 = e2 * coef
        els = [e1[i] for i in range(16)] + [e2[i] for i in range(16)]
        elbs = []
        for el in els:
            v = jnp.full((16,), el)
            elbs.append(plsc.pack(v, v, format=plsc.PackFormat.INTERLEAVED))

        @pl.when(not_first)
        def _():
            pltpu.make_async_copy(
                accbuf, out_hbm.at[pl.ds((base + r) * D2, D2)], osem).wait()

        def chunk_step(c, carry):
            cs = pl.multiple_of(c * 16, 16)
            acc = elbs[0] * plsc.bitcast(rowsbuf[0, pl.ds(cs, 16)],
                                         jnp.bfloat16)
            for l in range(1, L):
                acc = acc + elbs[l] * plsc.bitcast(
                    rowsbuf[l, pl.ds(cs, 16)], jnp.bfloat16)
            accbuf[pl.ds(cs, 16)] = plsc.bitcast(acc, jnp.float32)
            return carry
        lax.fori_loop(0, DCW, chunk_step, 0)

        pltpu.make_async_copy(
            accbuf, out_hbm.at[pl.ds((base + r) * D2, D2)], osem).start()

    half = RPW // 2
    start_row(0, rows_v0, rsem0)

    def outer(rr, carry):
        r0 = rr * 2
        start_row(r0 + 1, rows_v1, rsem1)
        wait_row(r0, rows_v0, rsem0)
        compute_row(r0, rows_v0, acc_v0, osem0, rr > 0)

        @pl.when(rr + 1 < half)
        def _():
            start_row(r0 + 2, rows_v0, rsem0)
        wait_row(r0 + 1, rows_v1, rsem1)
        compute_row(r0 + 1, rows_v1, acc_v1, osem1, rr > 0)
        return carry
    lax.fori_loop(0, half, outer, 0)

    pltpu.make_async_copy(
        acc_v0, out_hbm.at[pl.ds((base + RPW - 2) * D2, D2)], osem0).wait()
    pltpu.make_async_copy(
        acc_v1, out_hbm.at[pl.ds((base + RPW - 1) * D2, D2)], osem1).wait()


@jax.jit
def _run(ids_flat, d_embs, tok_embs, tokw_pad, ew_pad):
    ew16 = ew_pad.reshape(1, 16)

    table32 = pl.pallas_call(
        _pack_body,
        grid=(VPAD // VBLK,),
        in_specs=[pl.BlockSpec((VBLK, D), lambda i: (i, 0))],
        out_specs=pl.BlockSpec((VBLK, D2), lambda i: (i, 0)),
        out_shape=jax.ShapeDtypeStruct((VPAD, D2), jnp.float32),
    )(tok_embs)

    mesh = plsc.VectorSubcoreMesh(core_axis_name="c", subcore_axis_name="s")
    f = pl.kernel(
        _sc_body,
        out_type=jax.ShapeDtypeStruct((B * D2,), jnp.float32),
        mesh=mesh,
        compiler_params=pltpu.CompilerParams(needs_layout_passes=False),
        scratch_types=[
            pltpu.VMEM((VPAD,), jnp.float32),
            pltpu.VMEM((RPW * L,), jnp.int32),
            pltpu.VMEM((L, D2), jnp.float32),
            pltpu.VMEM((L, D2), jnp.float32),
            pltpu.VMEM((D2,), jnp.float32),
            pltpu.VMEM((D2,), jnp.float32),
            pltpu.SemaphoreType.DMA,
            pltpu.SemaphoreType.DMA,
            pltpu.SemaphoreType.DMA,
            pltpu.SemaphoreType.DMA,
        ],
    )
    q1words = f(ids_flat, table32, tokw_pad)

    docpart = pl.pallas_call(
        _doc_body,
        grid=(B // DBLK,),
        in_specs=[
            pl.BlockSpec((1, 16), lambda i: (0, 0)),
            pl.BlockSpec((DBLK, NDOCS * D), lambda i: (i, 0)),
        ],
        out_specs=pl.BlockSpec((DBLK, D), lambda i: (i, 0)),
        out_shape=jax.ShapeDtypeStruct((B, D), jnp.float32),
    )(ew16, d_embs.reshape(B, NDOCS * D).astype(jnp.bfloat16))

    out = pl.pallas_call(
        _combine_body,
        grid=(B // BLK,),
        in_specs=[
            pl.BlockSpec((1, 16), lambda i: (0, 0)),
            pl.BlockSpec((BLK, D2), lambda i: (i, 0)),
            pl.BlockSpec((BLK, D), lambda i: (i, 0)),
        ],
        out_specs=pl.BlockSpec((BLK, D), lambda i: (i, 0)),
        out_shape=jax.ShapeDtypeStruct((B, D), jnp.float32),
    )(ew16, q1words.reshape(B, D2), docpart)
    return out


def kernel(input_ids, attention_mask, d_embs, tok_embs, tok_embs_avg_weights,
           embs_avg_weights):
    del attention_mask
    ids_flat = input_ids.reshape(B * L)
    tokw_pad = jnp.pad(tok_embs_avg_weights, (0, VPAD - V))
    ew_pad = jnp.pad(embs_avg_weights, (0, 16 - NEMBS), constant_values=-1e30)
    return _run(ids_flat, d_embs, tok_embs, tokw_pad, ew_pad)

# --- scband reference (transcript-rebuilt; emitter-appended) ---
"""Pipeline reference for scband-avg-emb-query-estimator-3917010174384 (READ-ONLY COPY).

The authoritative reference and input builder live on the scoring server;
editing this copy changes nothing except your own understanding.
"""

import jax, jax.numpy as jnp
import numpy as np

B, L, V, D, NDOCS = 4096, 32, 30522, 768, 10
NEMBS = NDOCS + 1


def setup_inputs(seed: int = 0) -> dict:
    key = jax.random.key(seed)
    k1, k2, k3, k4, k5 = jax.random.split(key, 5)
    input_ids = jax.random.randint(k1, (B, L), 0, V, dtype=jnp.int32)
    attention_mask = jnp.ones((B, L), dtype=jnp.int32)
    # d_embs stands in for the top-ranked document embeddings that the original
    # module fetches via a BM25 sparse index + doc encoder (non-reproducible I/O).
    d_embs = jax.random.normal(k2, (B, NDOCS, D), dtype=jnp.float32)
    tok_embs = jax.random.normal(k3, (V, D), dtype=jnp.float32) * 0.02
    tok_embs_avg_weights = jax.random.normal(k4, (V,), dtype=jnp.float32) * 0.1 + 1.0
    embs_avg_weights = jax.random.normal(k5, (NEMBS,), dtype=jnp.float32) * 0.1 + 1.0
    return {
        "input_ids": input_ids,
        "attention_mask": attention_mask,
        "d_embs": d_embs,
        "tok_embs": tok_embs,
        "tok_embs_avg_weights": tok_embs_avg_weights,
        "embs_avg_weights": embs_avg_weights,
    }


def reference(input_ids, attention_mask, d_embs, tok_embs, tok_embs_avg_weights, embs_avg_weights):
    # --- lightweight semantic query estimation (LEARNED token weighting) ---
    q_tok_embs = jnp.take(tok_embs, input_ids, axis=0)                       # [B, L, D]
    q_tok_w_raw = jnp.take(tok_embs_avg_weights, input_ids, axis=0)          # [B, L]
    q_tok_weights = jax.nn.softmax(q_tok_w_raw, axis=-1)                     # [B, L]
    q_emb_1 = jnp.sum(q_tok_embs * q_tok_weights[..., None], axis=1)         # [B, D]
    # (normalize_q_emb_1 = False)

    # --- combine with top-ranked doc embeddings ---
    embs = jnp.concatenate([q_emb_1[:, None, :], d_embs], axis=-2)           # [B, NDOCS+1, D]
    embs_weights = jax.nn.softmax(embs_avg_weights, axis=0)                  # [NEMBS]
    embs_weights_b = jnp.broadcast_to(embs_weights[None, :], (embs.shape[0], NEMBS))
    q_emb_2 = jnp.sum(embs * embs_weights_b[..., None], axis=-2)             # [B, D]
    # (normalize_q_emb_2 = False)
    return q_emb_2

if __name__ == "__main__":
    import jax
    _d = setup_inputs()
    print(jax.jit(kernel)(*tuple(_d.values())))

</pallas_src>

<mosaic_0001>
#map = affine_map<(d0, d1) -> (0)>
#map1 = affine_map<(d0, d1) -> (0, 0)>
module attributes {stable_mosaic.version = 14 : i64} {
  func.func @_sc_body(%arg0: i32, %arg1: i32, %arg2: memref<131072xi32, #tpu.memory_space<hbm>>, %arg3: memref<30528x384xf32, #tpu.memory_space<hbm>>, %arg4: memref<30528xf32, #tpu.memory_space<hbm>>, %arg5: memref<1572864xf32, #tpu.memory_space<hbm>>, %arg6: memref<30528xf32, #tpu.memory_space<vmem>>, %arg7: memref<4096xi32, #tpu.memory_space<vmem>>, %arg8: memref<32x384xf32, #tpu.memory_space<vmem>>, %arg9: memref<32x384xf32, #tpu.memory_space<vmem>>, %arg10: memref<384xf32, #tpu.memory_space<vmem>>, %arg11: memref<384xf32, #tpu.memory_space<vmem>>, %arg12: memref<!tpu.dma_semaphore, #tpu.memory_space<semaphore_mem>>, %arg13: memref<!tpu.dma_semaphore, #tpu.memory_space<semaphore_mem>>, %arg14: memref<!tpu.dma_semaphore, #tpu.memory_space<semaphore_mem>>, %arg15: memref<!tpu.dma_semaphore, #tpu.memory_space<semaphore_mem>>) attributes {dimension_semantics = [#tpu.dimension_semantics<core_parallel>, #tpu.dimension_semantics<subcore_parallel>], iteration_bounds = array<i64: 2, 16>, scalar_prefetch = 0 : i64, scratch_operands = 10 : i64, tpu.core_type = #tpu.core_type<sc_vector_subcore>, window_params = [{transform_indices = #map}, {transform_indices = #map1}, {transform_indices = #map}, {transform_indices = #map}]} {
    %mul3A = arith.constant 2 : i32
    %mul3A_0 = arith.muli %arg1, %mul3A : i32
    %add3A = arith.addi %mul3A_0, %arg0 : i32
    %mul3A_1 = arith.constant 128 : i32
    %mul3A_2 = arith.muli %add3A, %mul3A_1 : i32
    "tpu.region"() ({
      %run_scoped3A = tpu.sem_alloc : memref<!tpu.dma_semaphore, #tpu.memory_space<semaphore_mem>>
      tpu.enqueue_dma source(%arg4 : memref<30528xf32, #tpu.memory_space<hbm>>) target(%arg6 : memref<30528xf32, #tpu.memory_space<vmem>>) target_semaphore(%run_scoped3A : memref<!tpu.dma_semaphore, #tpu.memory_space<semaphore_mem>>)
      tpu.wait_dma2 semaphore(%run_scoped3A : memref<!tpu.dma_semaphore, #tpu.memory_space<semaphore_mem>>) src(%arg4 : memref<30528xf32, #tpu.memory_space<hbm>>) dst(%arg6 : memref<30528xf32, #tpu.memory_space<vmem>>)
      tpu.yield
    }) : () -> ()
    %mul3A_3 = arith.constant 32 : i32
    %mul3A_4 = arith.muli %mul3A_2, %mul3A_3 : i32
    "tpu.region"() ({
      %run_scoped3A = tpu.sem_alloc : memref<!tpu.dma_semaphore, #tpu.memory_space<semaphore_mem>>
      %dma_start3A_28 = tpu.memref_slice %arg2[%mul3A_4] : memref<131072xi32, #tpu.memory_space<hbm>> -> memref<4096xi32, #tpu.memory_space<hbm>>
      %dma_start3A_29 = tpu.memref_slice %arg2[%mul3A_4] : memref<131072xi32, #tpu.memory_space<hbm>> -> memref<4096xi32, #tpu.memory_space<hbm>>
      tpu.enqueue_dma source(%dma_start3A_29 : memref<4096xi32, #tpu.memory_space<hbm>>) target(%arg7 : memref<4096xi32, #tpu.memory_space<vmem>>) target_semaphore(%run_scoped3A : memref<!tpu.dma_semaphore, #tpu.memory_space<semaphore_mem>>)
      %dma_wait3A_30 = tpu.memref_slice %arg2[%mul3A_4] : memref<131072xi32, #tpu.memory_space<hbm>> -> memref<4096xi32, #tpu.memory_space<hbm>>
      %dma_wait3A_31 = tpu.memref_slice %arg2[%mul3A_4] : memref<131072xi32, #tpu.memory_space<hbm>> -> memref<4096xi32, #tpu.memory_space<hbm>>
      tpu.wait_dma2 semaphore(%run_scoped3A : memref<!tpu.dma_semaphore, #tpu.memory_space<semaphore_mem>>) src(%dma_wait3A_31 : memref<4096xi32, #tpu.memory_space<hbm>>) dst(%arg7 : memref<4096xi32, #tpu.memory_space<vmem>>)
      tpu.yield
    }) : () -> ()
    %multiple_of3A = arith.constant 0 : i32
    %multiple_of3A_5 = tpu.assume_multiple %multiple_of3A, 32 : i32
    %dma_start3A = tpu.memref_slice %arg7[%multiple_of3A_5] : memref<4096xi32, #tpu.memory_space<vmem>> -> memref<32xi32, #tpu.memory_space<vmem>>
    %dma_start3A_6 = arith.constant 0 : i32
    %dma_start3A_7 = arith.constant 0 : i32
    %dma_start3A_8 = tpu.memref_slice %arg3[%dma_start3A_6, %dma_start3A_7] : memref<30528x384xf32, #tpu.memory_space<hbm>> -> memref<30528x384xf32, #tpu.memory_space<hbm>>
    tpu.enqueue_indirect_dma source(%dma_start3A_8 : memref<30528x384xf32, #tpu.memory_space<hbm>>) target(%arg8 : memref<32x384xf32, #tpu.memory_space<vmem>>) offsets(%dma_start3A : memref<32xi32, #tpu.memory_space<vmem>>) semaphore(%arg12 : memref<!tpu.dma_semaphore, #tpu.memory_space<semaphore_mem>>)
    %scan3A = arith.constant 0 : i32
    %scan3A_9 = arith.constant 0 : i32
    %scan3A_10 = arith.constant 64 : i32
    %scan3A_11 = arith.addi %scan3A_9, %scan3A_10 : i32
    %scan3A_12 = arith.constant 1 : i32
    scf.for %scan3A_28 = %scan3A_9 to %scan3A_11 step %scan3A_12  : i32 {
      %mul3A_29 = arith.constant 2 : i32
      %mul3A_30 = arith.muli %scan3A_28, %mul3A_29 : i32
      %add3A_31 = arith.constant 1 : i32
      %add3A_32 = arith.addi %mul3A_30, %add3A_31 : i32
      %mul3A_33 = arith.constant 32 : i32
      %mul3A_34 = arith.muli %add3A_32, %mul3A_33 : i32
      %multiple_of3A_35 = tpu.assume_multiple %mul3A_34, 32 : i32
      %dma_start3A_36 = tpu.memref_slice %arg7[%multiple_of3A_35] : memref<4096xi32, #tpu.memory_space<vmem>> -> memref<32xi32, #tpu.memory_space<vmem>>
      %dma_start3A_37 = arith.constant 0 : i32
      %dma_start3A_38 = arith.constant 0 : i32
      %dma_start3A_39 = tpu.memref_slice %arg3[%dma_start3A_37, %dma_start3A_38] : memref<30528x384xf32, #tpu.memory_space<hbm>> -> memref<30528x384xf32, #tpu.memory_space<hbm>>
      tpu.enqueue_indirect_dma source(%dma_start3A_39 : memref<30528x384xf32, #tpu.memory_space<hbm>>) target(%arg9 : memref<32x384xf32, #tpu.memory_space<vmem>>) offsets(%dma_start3A_36 : memref<32xi32, #tpu.memory_space<vmem>>) semaphore(%arg13 : memref<!tpu.dma_semaphore, #tpu.memory_space<semaphore_mem>>)
      %mul3A_40 = arith.constant 32 : i32
      %mul3A_41 = arith.muli %mul3A_30, %mul3A_40 : i32
      %multiple_of3A_42 = tpu.assume_multiple %mul3A_41, 32 : i32
      %dma_wait3A_43 = tpu.memref_slice %arg7[%multiple_of3A_42] : memref<4096xi32, #tpu.memory_space<vmem>> -> memref<32xi32, #tpu.memory_space<vmem>>
      %dma_wait3A_44 = arith.constant 0 : i32
      %dma_wait3A_45 = arith.constant 0 : i32
      %dma_wait3A_46 = tpu.memref_slice %arg3[%dma_wait3A_44, %dma_wait3A_45] : memref<30528x384xf32, #tpu.memory_space<hbm>> -> memref<30528x384xf32, #tpu.memory_space<hbm>>
      tpu.wait_indirect_dma semaphore(%arg12 : memref<!tpu.dma_semaphore, #tpu.memory_space<semaphore_mem>>) src(%dma_wait3A_46 : memref<30528x384xf32, #tpu.memory_space<hbm>>) dst(%arg8 : memref<32x384xf32, #tpu.memory_space<vmem>>)
      %gt3A = arith.constant 0 : i32
      %gt3A_47 = arith.cmpi sgt, %scan3A_28, %gt3A : i32
      %mul3A_48 = arith.constant 32 : i32
      %mul3A_49 = arith.muli %mul3A_30, %mul3A_48 : i32
      %multiple_of3A_50 = tpu.assume_multiple %mul3A_49, 32 : i32
      %get3A = arith.index_cast %multiple_of3A_50 : i32 to index
      %get3A_51 = tpu.vector_load %arg7[%get3A] {strides = array<i32>} : memref<4096xi32, #tpu.memory_space<vmem>>, vector<16xi32>,
      %add3A_52 = arith.constant 16 : i32
      %add3A_53 = arith.addi %multiple_of3A_50, %add3A_52 : i32
      %get3A_54 = arith.index_cast %add3A_53 : i32 to index
      %get3A_55 = tpu.vector_load %arg7[%get3A_54] {strides = array<i32>} : memref<4096xi32, #tpu.memory_space<vmem>>, vector<16xi32>,
      %gather3A = tpu.vector_load_idx %arg6[%get3A_51] : memref<30528xf32, #tpu.memory_space<vmem>>[vector<16xi32>], vector<16xf32>,
      %gather3A_56 = tpu.vector_load_idx %arg6[%get3A_55] : memref<30528xf32, #tpu.memory_space<vmem>>[vector<16xi32>], vector<16xf32>,
      %max3A = arith.maximumf %gather3A, %gather3A_56 : vector<16xf32>
      %reduce_max3A = arith.constant true
      %reduce_max3A_57 = vector.broadcast %reduce_max3A : i1 to vector<16xi1>
      %reduce_max3A_58 = tpu.scan <max>, %max3A masked %reduce_max3A_57 : vector<16xf32>, vector<16xi1> -> vector<16xf32>
      %reduce_max3A_59 = vector.extract %reduce_max3A_58[15] : f32 from vector<16xf32>
      %broadcast_in_dim3A = vector.broadcast %reduce_max3A_59 : f32 to vector<16xf32>
      %sub3A_60 = arith.subf %gather3A, %broadcast_in_dim3A : vector<16xf32>
      %exp3A = math.exp %sub3A_60 : vector<16xf32>
      %sub3A_61 = arith.subf %gather3A_56, %broadcast_in_dim3A : vector<16xf32>
      %exp3A_62 = math.exp %sub3A_61 : vector<16xf32>
      %broadcast_in_dim3A_63 = arith.constant 1.000000e+00 : f32
      %broadcast_in_dim3A_64 = vector.broadcast %broadcast_in_dim3A_63 : f32 to vector<16xf32>
      %add3A_65 = arith.addf %exp3A, %exp3A_62 : vector<16xf32>
      %reduce_sum3A = arith.constant true
      %reduce_sum3A_66 = vector.broadcast %reduce_sum3A : i1 to vector<16xi1>
      %reduce_sum3A_67 = tpu.scan <sum>, %add3A_65 masked %reduce_sum3A_66 : vector<16xf32>, vector<16xi1> -> vector<16xf32>
      %reduce_sum3A_68 = vector.extract %reduce_sum3A_67[15] : f32 from vector<16xf32>
      %broadcast_in_dim3A_69 = vector.broadcast %reduce_sum3A_68 : f32 to vector<16xf32>
      %div3A = arith.divf %broadcast_in_dim3A_64, %broadcast_in_dim3A_69 : vector<16xf32>
      %mul3A_70 = arith.mulf %exp3A, %div3A : vector<16xf32>
      %mul3A_71 = arith.mulf %exp3A_62, %div3A : vector<16xf32>
      %slice3A = vector.extract_strided_slice %mul3A_70 {offsets = [0], sizes = [1], strides = [1]} : vector<16xf32> to vector<1xf32>
      %squeeze3A = vector.extract %slice3A[0] : f32 from vector<1xf32>
      %slice3A_72 = vector.extract_strided_slice %mul3A_70 {offsets = [1], sizes = [1], strides = [1]} : vector<16xf32> to vector<1xf32>
      %squeeze3A_73 = vector.extract %slice3A_72[0] : f32 from vector<1xf32>
      %slice3A_74 = vector.extract_strided_slice %mul3A_70 {offsets = [2], sizes = [1], strides = [1]} : vector<16xf32> to vector<1xf32>
      %squeeze3A_75 = vector.extract %slice3A_74[0] : f32 from vector<1xf32>
      %slice3A_76 = vector.extract_strided_slice %mul3A_70 {offsets = [3], sizes = [1], strides = [1]} : vector<16xf32> to vector<1xf32>
      %squeeze3A_77 = vector.extract %slice3A_76[0] : f32 from vector<1xf32>
      %slice3A_78 = vector.extract_strided_slice %mul3A_70 {offsets = [4], sizes = [1], strides = [1]} : vector<16xf32> to vector<1xf32>
      %squeeze3A_79 = vector.extract %slice3A_78[0] : f32 from vector<1xf32>
      %slice3A_80 = vector.extract_strided_slice %mul3A_70 {offsets = [5], sizes = [1], strides = [1]} : vector<16xf32> to vector<1xf32>
      %squeeze3A_81 = vector.extract %slice3A_80[0] : f32 from vector<1xf32>
      %slice3A_82 = vector.extract_strided_slice %mul3A_70 {offsets = [6], sizes = [1], strides = [1]} : vector<16xf32> to vector<1xf32>
      %squeeze3A_83 = vector.extract %slice3A_82[0] : f32 from vector<1xf32>
      %slice3A_84 = vector.extract_strided_slice %mul3A_70 {offsets = [7], sizes = [1], strides = [1]} : vector<16xf32> to vector<1xf32>
      %squeeze3A_85 = vector.extract %slice3A_84[0] : f32 from vector<1xf32>
      %slice3A_86 = vector.extract_strided_slice %mul3A_70 {offsets = [8], sizes = [1], strides = [1]} : vector<16xf32> to vector<1xf32>
      %squeeze3A_87 = vector.extract %slice3A_86[0] : f32 from vector<1xf32>
      %slice3A_88 = vector.extract_strided_slice %mul3A_70 {offsets = [9], sizes = [1], strides = [1]} : vector<16xf32> to vector<1xf32>
      %squeeze3A_89 = vector.extract %slice3A_88[0] : f32 from vector<1xf32>
      %slice3A_90 = vector.extract_strided_slice %mul3A_70 {offsets = [10], sizes = [1], strides = [1]} : vector<16xf32> to vector<1xf32>
      %squeeze3A_91 = vector.extract %slice3A_90[0] : f32 from vector<1xf32>
      %slice3A_92 = vector.extract_strided_slice %mul3A_70 {offsets = [11], sizes = [1], strides = [1]} : vector<16xf32> to vector<1xf32>
      %squeeze3A_93 = vector.extract %slice3A_92[0] : f32 from vector<1xf32>
      %slice3A_94 = vector.extract_strided_slice %mul3A_70 {offsets = [12], sizes = [1], strides = [1]} : vector<16xf32> to vector<1xf32>
      %squeeze3A_95 = vector.extract %slice3A_94[0] : f32 from vector<1xf32>
      %slice3A_96 = vector.extract_strided_slice %mul3A_70 {offsets = [13], sizes = [1], strides = [1]} : vector<16xf32> to vector<1xf32>
      %squeeze3A_97 = vector.extract %slice3A_96[0] : f32 from vector<1xf32>
      %slice3A_98 = vector.extract_strided_slice %mul3A_70 {offsets = [14], sizes = [1], strides = [1]} : vector<16xf32> to vector<1xf32>
      %squeeze3A_99 = vector.extract %slice3A_98[0] : f32 from vector<1xf32>
      %slice3A_100 = vector.extract_strided_slice %mul3A_70 {offsets = [15], sizes = [1], strides = [1]} : vector<16xf32> to vector<1xf32>
      %squeeze3A_101 = vector.extract %slice3A_100[0] : f32 from vector<1xf32>
      %slice3A_102 = vector.extract_strided_slice %mul3A_71 {offsets = [0], sizes = [1], strides = [1]} : vector<16xf32> to vector<1xf32>
      %squeeze3A_103 = vector.extract %slice3A_102[0] : f32 from vector<1xf32>
      %slice3A_104 = vector.extract_strided_slice %mul3A_71 {offsets = [1], sizes = [1], strides = [1]} : vector<16xf32> to vector<1xf32>
      %squeeze3A_105 = vector.extract %slice3A_104[0] : f32 from vector<1xf32>
      %slice3A_106 = vector.extract_strided_slice %mul3A_71 {offsets = [2], sizes = [1], strides = [1]} : vector<16xf32> to vector<1xf32>
      %squeeze3A_107 = vector.extract %slice3A_106[0] : f32 from vector<1xf32>
      %slice3A_108 = vector.extract_strided_slice %mul3A_71 {offsets = [3], sizes = [1], strides = [1]} : vector<16xf32> to vector<1xf32>
      %squeeze3A_109 = vector.extract %slice3A_108[0] : f32 from vector<1xf32>
      %slice3A_110 = vector.extract_strided_slice %mul3A_71 {offsets = [4], sizes = [1], strides = [1]} : vector<16xf32> to vector<1xf32>
      %squeeze3A_111 = vector.extract %slice3A_110[0] : f32 from vector<1xf32>
      %slice3A_112 = vector.extract_strided_slice %mul3A_71 {offsets = [5], sizes = [1], strides = [1]} : vector<16xf32> to vector<1xf32>
      %squeeze3A_113 = vector.extract %slice3A_112[0] : f32 from vector<1xf32>
      %slice3A_114 = vector.extract_strided_slice %mul3A_71 {offsets = [6], sizes = [1], strides = [1]} : vector<16xf32> to vector<1xf32>
      %squeeze3A_115 = vector.extract %slice3A_114[0] : f32 from vector<1xf32>
      %slice3A_116 = vector.extract_strided_slice %mul3A_71 {offsets = [7], sizes = [1], strides = [1]} : vector<16xf32> to vector<1xf32>
      %squeeze3A_117 = vector.extract %slice3A_116[0] : f32 from vector<1xf32>
      %slice3A_118 = vector.extract_strided_slice %mul3A_71 {offsets = [8], sizes = [1], strides = [1]} : vector<16xf32> to vector<1xf32>
      %squeeze3A_119 = vector.extract %slice3A_118[0] : f32 from vector<1xf32>
      %slice3A_120 = vector.extract_strided_slice %mul3A_71 {offsets = [9], sizes = [1], strides = [1]} : vector<16xf32> to vector<1xf32>
      %squeeze3A_121 = vector.extract %slice3A_120[0] : f32 from vector<1xf32>
      %slice3A_122 = vector.extract_strided_slice %mul3A_71 {offsets = [10], sizes = [1], strides = [1]} : vector<16xf32> to vector<1xf32>
      %squeeze3A_123 = vector.extract %slice3A_122[0] : f32 from vector<1xf32>
      %slice3A_124 = vector.extract_strided_slice %mul3A_71 {offsets = [11], sizes = [1], strides = [1]} : vector<16xf32> to vector<1xf32>
      %squeeze3A_125 = vector.extract %slice3A_124[0] : f32 from vector<1xf32>
      %slice3A_126 = vector.extract_strided_slice %mul3A_71 {offsets = [12], sizes = [1], strides = [1]} : vector<16xf32> to vector<1xf32>
      %squeeze3A_127 = vector.extract %slice3A_126[0] : f32 from vector<1xf32>
      %slice3A_128 = vector.extract_strided_slice %mul3A_71 {offsets = [13], sizes = [1], strides = [1]} : vector<16xf32> to vector<1xf32>
      %squeeze3A_129 = vector.extract %slice3A_128[0] : f32 from vector<1xf32>
      %slice3A_130 = vector.extract_strided_slice %mul3A_71 {offsets = [14], sizes = [1], strides = [1]} : vector<16xf32> to vector<1xf32>
      %squeeze3A_131 = vector.extract %slice3A_130[0] : f32 from vector<1xf32>
      %slice3A_132 = vector.extract_strided_slice %mul3A_71 {offsets = [15], sizes = [1], strides = [1]} : vector<16xf32> to vector<1xf32>
      %squeeze3A_133 = vector.extract %slice3A_132[0] : f32 from vector<1xf32>
      %broadcast_in_dim3A_134 = vector.broadcast %squeeze3A : f32 to vector<16xf32>
      %pack3A = tpu.pack_subelements %broadcast_in_dim3A_134, %broadcast_in_dim3A_134 {pack_format = #tpu.pack_format<interleaved>, positions = array<i32: 0, 1>} : vector<16xf32>, vector<16xf32> -> vector<32xbf16>
      %broadcast_in_dim3A_135 = vector.broadcast %squeeze3A_73 : f32 to vector<16xf32>
      %pack3A_136 = tpu.pack_subelements %broadcast_in_dim3A_135, %broadcast_in_dim3A_135 {pack_format = #tpu.pack_format<interleaved>, positions = array<i32: 0, 1>} : vector<16xf32>, vector<16xf32> -> vector<32xbf16>
      %broadcast_in_dim3A_137 = vector.broadcast %squeeze3A_75 : f32 to vector<16xf32>
      %pack3A_138 = tpu.pack_subelements %broadcast_in_dim3A_137, %broadcast_in_dim3A_137 {pack_format = #tpu.pack_format<interleaved>, positions = array<i32: 0, 1>} : vector<16xf32>, vector<16xf32> -> vector<32xbf16>
      %broadcast_in_dim3A_139 = vector.broadcast %squeeze3A_77 : f32 to vector<16xf32>
      %pack3A_140 = tpu.pack_subelements %broadcast_in_dim3A_139, %broadcast_in_dim3A_139 {pack_format = #tpu.pack_format<interleaved>, positions = array<i32: 0, 1>} : vector<16xf32>, vector<16xf32> -> vector<32xbf16>
      %broadcast_in_dim3A_141 = vector.broadcast %squeeze3A_79 : f32 to vector<16xf32>
      %pack3A_142 = tpu.pack_subelements %broadcast_in_dim3A_141, %broadcast_in_dim3A_141 {pack_format = #tpu.pack_format<interleaved>, positions = array<i32: 0, 1>} : vector<16xf32>, vector<16xf32> -> vector<32xbf16>
      %broadcast_in_dim3A_143 = vector.broadcast %squeeze3A_81 : f32 to vector<16xf32>
      %pack3A_144 = tpu.pack_subelements %broadcast_in_dim3A_143, %broadcast_in_dim3A_143 {pack_format = #tpu.pack_format<interleaved>, positions = array<i32: 0, 1>} : vector<16xf32>, vector<16xf32> -> vector<32xbf16>
      %broadcast_in_dim3A_145 = vector.broadcast %squeeze3A_83 : f32 to vector<16xf32>
      %pack3A_146 = tpu.pack_subelements %broadcast_in_dim3A_145, %broadcast_in_dim3A_145 {pack_format = #tpu.pack_format<interleaved>, positions = array<i32: 0, 1>} : vector<16xf32>, vector<16xf32> -> vector<32xbf16>
      %broadcast_in_dim3A_147 = vector.broadcast %squeeze3A_85 : f32 to vector<16xf32>
      %pack3A_148 = tpu.pack_subelements %broadcast_in_dim3A_147, %broadcast_in_dim3A_147 {pack_format = #tpu.pack_format<interleaved>, positions = array<i32: 0, 1>} : vector<16xf32>, vector<16xf32> -> vector<32xbf16>
      %broadcast_in_dim3A_149 = vector.broadcast %squeeze3A_87 : f32 to vector<16xf32>
      %pack3A_150 = tpu.pack_subelements %broadcast_in_dim3A_149, %broadcast_in_dim3A_149 {pack_format = #tpu.pack_format<interleaved>, positions = array<i32: 0, 1>} : vector<16xf32>, vector<16xf32> -> vector<32xbf16>
      %broadcast_in_dim3A_151 = vector.broadcast %squeeze3A_89 : f32 to vector<16xf32>
      %pack3A_152 = tpu.pack_subelements %broadcast_in_dim3A_151, %broadcast_in_dim3A_151 {pack_format = #tpu.pack_format<interleaved>, positions = array<i32: 0, 1>} : vector<16xf32>, vector<16xf32> -> vector<32xbf16>
      %broadcast_in_dim3A_153 = vector.broadcast %squeeze3A_91 : f32 to vector<16xf32>
      %pack3A_154 = tpu.pack_subelements %broadcast_in_dim3A_153, %broadcast_in_dim3A_153 {pack_format = #tpu.pack_format<interleaved>, positions = array<i32: 0, 1>} : vector<16xf32>, vector<16xf32> -> vector<32xbf16>
      %broadcast_in_dim3A_155 = vector.broadcast %squeeze3A_93 : f32 to vector<16xf32>
      %pack3A_156 = tpu.pack_subelements %broadcast_in_dim3A_155, %broadcast_in_dim3A_155 {pack_format = #tpu.pack_format<interleaved>, positions = array<i32: 0, 1>} : vector<16xf32>, vector<16xf32> -> vector<32xbf16>
      %broadcast_in_dim3A_157 = vector.broadcast %squeeze3A_95 : f32 to vector<16xf32>
      %pack3A_158 = tpu.pack_subelements %broadcast_in_dim3A_157, %broadcast_in_dim3A_157 {pack_format = #tpu.pack_format<interleaved>, positions = array<i32: 0, 1>} : vector<16xf32>, vector<16xf32> -> vector<32xbf16>
      %broadcast_in_dim3A_159 = vector.broadcast %squeeze3A_97 : f32 to vector<16xf32>
      %pack3A_160 = tpu.pack_subelements %broadcast_in_dim3A_159, %broadcast_in_dim3A_159 {pack_format = #tpu.pack_format<interleaved>, positions = array<i32: 0, 1>} : vector<16xf32>, vector<16xf32> -> vector<32xbf16>
      %broadcast_in_dim3A_161 = vector.broadcast %squeeze3A_99 : f32 to vector<16xf32>
      %pack3A_162 = tpu.pack_subelements %broadcast_in_dim3A_161, %broadcast_in_dim3A_161 {pack_format = #tpu.pack_format<interleaved>, positions = array<i32: 0, 1>} : vector<16xf32>, vector<16xf32> -> vector<32xbf16>
      %broadcast_in_dim3A_163 = vector.broadcast %squeeze3A_101 : f32 to vector<16xf32>
      %pack3A_164 = tpu.pack_subelements %broadcast_in_dim3A_163, %broadcast_in_dim3A_163 {pack_format = #tpu.pack_format<interleaved>, positions = array<i32: 0, 1>} : vector<16xf32>, vector<16xf32> -> vector<32xbf16>
      %broadcast_in_dim3A_165 = vector.broadcast %squeeze3A_103 : f32 to vector<16xf32>
      %pack3A_166 = tpu.pack_subelements %broadcast_in_dim3A_165, %broadcast_in_dim3A_165 {pack_format = #tpu.pack_format<interleaved>, positions = array<i32: 0, 1>} : vector<16xf32>, vector<16xf32> -> vector<32xbf16>
      %broadcast_in_dim3A_167 = vector.broadcast %squeeze3A_105 : f32 to vector<16xf32>
      %pack3A_168 = tpu.pack_subelements %broadcast_in_dim3A_167, %broadcast_in_dim3A_167 {pack_format = #tpu.pack_format<interleaved>, positions = array<i32: 0, 1>} : vector<16xf32>, vector<16xf32> -> vector<32xbf16>
      %broadcast_in_dim3A_169 = vector.broadcast %squeeze3A_107 : f32 to vector<16xf32>
      %pack3A_170 = tpu.pack_subelements %broadcast_in_dim3A_169, %broadcast_in_dim3A_169 {pack_format = #tpu.pack_format<interleaved>, positions = array<i32: 0, 1>} : vector<16xf32>, vector<16xf32> -> vector<32xbf16>
      %broadcast_in_dim3A_171 = vector.broadcast %squeeze3A_109 : f32 to vector<16xf32>
      %pack3A_172 = tpu.pack_subelements %broadcast_in_dim3A_171, %broadcast_in_dim3A_171 {pack_format = #tpu.pack_format<interleaved>, positions = array<i32: 0, 1>} : vector<16xf32>, vector<16xf32> -> vector<32xbf16>
      %broadcast_in_dim3A_173 = vector.broadcast %squeeze3A_111 : f32 to vector<16xf32>
      %pack3A_174 = tpu.pack_subelements %broadcast_in_dim3A_173, %broadcast_in_dim3A_173 {pack_format = #tpu.pack_format<interleaved>, positions = array<i32: 0, 1>} : vector<16xf32>, vector<16xf32> -> vector<32xbf16>
      %broadcast_in_dim3A_175 = vector.broadcast %squeeze3A_113 : f32 to vector<16xf32>
      %pack3A_176 = tpu.pack_subelements %broadcast_in_dim3A_175, %broadcast_in_dim3A_175 {pack_format = #tpu.pack_format<interleaved>, positions = array<i32: 0, 1>} : vector<16xf32>, vector<16xf32> -> vector<32xbf16>
      %broadcast_in_dim3A_177 = vector.broadcast %squeeze3A_115 : f32 to vector<16xf32>
      %pack3A_178 = tpu.pack_subelements %broadcast_in_dim3A_177, %broadcast_in_dim3A_177 {pack_format = #tpu.pack_format<interleaved>, positions = array<i32: 0, 1>} : vector<16xf32>, vector<16xf32> -> vector<32xbf16>
      %broadcast_in_dim3A_179 = vector.broadcast %squeeze3A_117 : f32 to vector<16xf32>
      %pack3A_180 = tpu.pack_subelements %broadcast_in_dim3A_179, %broadcast_in_dim3A_179 {pack_format = #tpu.pack_format<interleaved>, positions = array<i32: 0, 1>} : vector<16xf32>, vector<16xf32> -> vector<32xbf16>
      %broadcast_in_dim3A_181 = vector.broadcast %squeeze3A_119 : f32 to vector<16xf32>
      %pack3A_182 = tpu.pack_subelements %broadcast_in_dim3A_181, %broadcast_in_dim3A_181 {pack_format = #tpu.pack_format<interleaved>, positions = array<i32: 0, 1>} : vector<16xf32>, vector<16xf32> -> vector<32xbf16>
      %broadcast_in_dim3A_183 = vector.broadcast %squeeze3A_121 : f32 to vector<16xf32>
      %pack3A_184 = tpu.pack_subelements %broadcast_in_dim3A_183, %broadcast_in_dim3A_183 {pack_format = #tpu.pack_format<interleaved>, positions = array<i32: 0, 1>} : vector<16xf32>, vector<16xf32> -> vector<32xbf16>
      %broadcast_in_dim3A_185 = vector.broadcast %squeeze3A_123 : f32 to vector<16xf32>
      %pack3A_186 = tpu.pack_subelements %broadcast_in_dim3A_185, %broadcast_in_dim3A_185 {pack_format = #tpu.pack_format<interleaved>, positions = array<i32: 0, 1>} : vector<16xf32>, vector<16xf32> -> vector<32xbf16>
      %broadcast_in_dim3A_187 = vector.broadcast %squeeze3A_125 : f32 to vector<16xf32>
      %pack3A_188 = tpu.pack_subelements %broadcast_in_dim3A_187, %broadcast_in_dim3A_187 {pack_format = #tpu.pack_format<interleaved>, positions = array<i32: 0, 1>} : vector<16xf32>, vector<16xf32> -> vector<32xbf16>
      %broadcast_in_dim3A_189 = vector.broadcast %squeeze3A_127 : f32 to vector<16xf32>
      %pack3A_190 = tpu.pack_subelements %broadcast_in_dim3A_189, %broadcast_in_dim3A_189 {pack_format = #tpu.pack_format<interleaved>, positions = array<i32: 0, 1>} : vector<16xf32>, vector<16xf32> -> vector<32xbf16>
      %broadcast_in_dim3A_191 = vector.broadcast %squeeze3A_129 : f32 to vector<16xf32>
      %pack3A_192 = tpu.pack_subelements %broadcast_in_dim3A_191, %broadcast_in_dim3A_191 {pack_format = #tpu.pack_format<interleaved>, positions = array<i32: 0, 1>} : vector<16xf32>, vector<16xf32> -> vector<32xbf16>
      %broadcast_in_dim3A_193 = vector.broadcast %squeeze3A_131 : f32 to vector<16xf32>
      %pack3A_194 = tpu.pack_subelements %broadcast_in_dim3A_193, %broadcast_in_dim3A_193 {pack_format = #tpu.pack_format<interleaved>, positions = array<i32: 0, 1>} : vector<16xf32>, vector<16xf32> -> vector<32xbf16>
      %broadcast_in_dim3A_195 = vector.broadcast %squeeze3A_133 : f32 to vector<16xf32>
      %pack3A_196 = tpu.pack_subelements %broadcast_in_dim3A_195, %broadcast_in_dim3A_195 {pack_format = #tpu.pack_format<interleaved>, positions = array<i32: 0, 1>} : vector<16xf32>, vector<16xf32> -> vector<32xbf16>
      %convert_element_type3A = arith.extui %gt3A_47 : i1 to i32
      %cond3A = arith.constant 0 : i32
      %cond3A_197 = arith.cmpi ne, %convert_element_type3A, %cond3A : i32
      scf.if %cond3A_197 {
        %add3A_402 = arith.addi %mul3A_2, %mul3A_30 : i32
        %mul3A_403 = arith.constant 384 : i32
        %mul3A_404 = arith.muli %add3A_402, %mul3A_403 : i32
        %dma_wait3A_405 = tpu.memref_slice %arg5[%mul3A_404] : memref<1572864xf32, #tpu.memory_space<hbm>> -> memref<384xf32, #tpu.memory_space<hbm>>
        %dma_wait3A_406 = tpu.memref_slice %arg5[%mul3A_404] : memref<1572864xf32, #tpu.memory_space<hbm>> -> memref<384xf32, #tpu.memory_space<hbm>>
        tpu.wait_dma2 semaphore(%arg14 : memref<!tpu.dma_semaphore, #tpu.memory_space<semaphore_mem>>) src(%arg10 : memref<384xf32, #tpu.memory_space<vmem>>) dst(%dma_wait3A_406 : memref<384xf32, #tpu.memory_space<hbm>>)
      } else {
      }
      %scan3A_198 = arith.constant 0 : i32
      %scan3A_199 = arith.constant 0 : i32
      %scan3A_200 = arith.constant 24 : i32
      %scan3A_201 = arith.addi %scan3A_199, %scan3A_200 : i32
      %scan3A_202 = arith.constant 1 : i32
      scf.for %scan3A_402 = %scan3A_199 to %scan3A_201 step %scan3A_202  : i32 {
        %mul3A_403 = arith.constant 16 : i32
        %mul3A_404 = arith.muli %scan3A_402, %mul3A_403 : i32
        %multiple_of3A_405 = tpu.assume_multiple %mul3A_404, 16 : i32
        %get3A_406 = arith.constant 0 : i32
        %get3A_407 = arith.index_cast %get3A_406 : i32 to index
        %get3A_408 = arith.index_cast %multiple_of3A_405 : i32 to index
        %get3A_409 = tpu.vector_load %arg8[%get3A_407, %get3A_408] {strides = array<i32>} : memref<32x384xf32, #tpu.memory_space<vmem>>, vector<16xf32>,
        %bitcast3A = vector.bitcast %get3A_409 : vector<16xf32> to vector<32xbf16>
        %mul3A_410 = arith.mulf %pack3A, %bitcast3A : vector<32xbf16>
        %get3A_411 = arith.constant 1 : i32
        %get3A_412 = arith.index_cast %get3A_411 : i32 to index
        %get3A_413 = arith.index_cast %multiple_of3A_405 : i32 to index
        %get3A_414 = tpu.vector_load %arg8[%get3A_412, %get3A_413] {strides = array<i32>} : memref<32x384xf32, #tpu.memory_space<vmem>>, vector<16xf32>,
        %bitcast3A_415 = vector.bitcast %get3A_414 : vector<16xf32> to vector<32xbf16>
        %mul3A_416 = arith.mulf %pack3A_136, %bitcast3A_415 : vector<32xbf16>
        %add3A_417 = arith.addf %mul3A_410, %mul3A_416 : vector<32xbf16>
        %get3A_418 = arith.constant 2 : i32
        %get3A_419 = arith.index_cast %get3A_418 : i32 to index
        %get3A_420 = arith.index_cast %multiple_of3A_405 : i32 to index
        %get3A_421 = tpu.vector_load %arg8[%get3A_419, %get3A_420] {strides = array<i32>} : memref<32x384xf32, #tpu.memory_space<vmem>>, vector<16xf32>,
        %bitcast3A_422 = vector.bitcast %get3A_421 : vector<16xf32> to vector<32xbf16>
        %mul3A_423 = arith.mulf %pack3A_138, %bitcast3A_422 : vector<32xbf16>
        %add3A_424 = arith.addf %add3A_417, %mul3A_423 : vector<32xbf16>
        %get3A_425 = arith.constant 3 : i32
        %get3A_426 = arith.index_cast %get3A_425 : i32 to index
        %get3A_427 = arith.index_cast %multiple_of3A_405 : i32 to index
        %get3A_428 = tpu.vector_load %arg8[%get3A_426, %get3A_427] {strides = array<i32>} : memref<32x384xf32, #tpu.memory_space<vmem>>, vector<16xf32>,
        %bitcast3A_429 = vector.bitcast %get3A_428 : vector<16xf32> to vector<32xbf16>
        %mul3A_430 = arith.mulf %pack3A_140, %bitcast3A_429 : vector<32xbf16>
        %add3A_431 = arith.addf %add3A_424, %mul3A_430 : vector<32xbf16>
        %get3A_432 = arith.constant 4 : i32
        %get3A_433 = arith.index_cast %get3A_432 : i32 to index
        %get3A_434 = arith.index_cast %multiple_of3A_405 : i32 to index
        %get3A_435 = tpu.vector_load %arg8[%get3A_433, %get3A_434] {strides = array<i32>} : memref<32x384xf32, #tpu.memory_space<vmem>>, vector<16xf32>,
        %bitcast3A_436 = vector.bitcast %get3A_435 : vector<16xf32> to vector<32xbf16>
        %mul3A_437 = arith.mulf %pack3A_142, %bitcast3A_436 : vector<32xbf16>
        %add3A_438 = arith.addf %add3A_431, %mul3A_437 : vector<32xbf16>
        %get3A_439 = arith.constant 5 : i32
        %get3A_440 = arith.index_cast %get3A_439 : i32 to index
        %get3A_441 = arith.index_cast %multiple_of3A_405 : i32 to index
        %get3A_442 = tpu.vector_load %arg8[%get3A_440, %get3A_441] {strides = array<i32>} : memref<32x384xf32, #tpu.memory_space<vmem>>, vector<16xf32>,
        %bitcast3A_443 = vector.bitcast %get3A_442 : vector<16xf32> to vector<32xbf16>
        %mul3A_444 = arith.mulf %pack3A_144, %bitcast3A_443 : vector<32xbf16>
        %add3A_445 = arith.addf %add3A_438, %mul3A_444 : vector<32xbf16>
        %get3A_446 = arith.constant 6 : i32
        %get3A_447 = arith.index_cast %get3A_446 : i32 to index
        %get3A_448 = arith.index_cast %multiple_of3A_405 : i32 to index
        %get3A_449 = tpu.vector_load %arg8[%get3A_447, %get3A_448] {strides = array<i32>} : memref<32x384xf32, #tpu.memory_space<vmem>>, vector<16xf32>,
        %bitcast3A_450 = vector.bitcast %get3A_449 : vector<16xf32> to vector<32xbf16>
        %mul3A_451 = arith.mulf %pack3A_146, %bitcast3A_450 : vector<32xbf16>
        %add3A_452 = arith.addf %add3A_445, %mul3A_451 : vector<32xbf16>
        %get3A_453 = arith.constant 7 : i32
        %get3A_454 = arith.index_cast %get3A_453 : i32 to index
        %get3A_455 = arith.index_cast %multiple_of3A_405 : i32 to index
        %get3A_456 = tpu.vector_load %arg8[%get3A_454, %get3A_455] {strides = array<i32>} : memref<32x384xf32, #tpu.memory_space<vmem>>, vector<16xf32>,
        %bitcast3A_457 = vector.bitcast %get3A_456 : vector<16xf32> to vector<32xbf16>
        %mul3A_458 = arith.mulf %pack3A_148, %bitcast3A_457 : vector<32xbf16>
        %add3A_459 = arith.addf %add3A_452, %mul3A_458 : vector<32xbf16>
        %get3A_460 = arith.constant 8 : i32
        %get3A_461 = arith.index_cast %get3A_460 : i32 to index
        %get3A_462 = arith.index_cast %multiple_of3A_405 : i32 to index
        %get3A_463 = tpu.vector_load %arg8[%get3A_461, %get3A_462] {strides = array<i32>} : memref<32x384xf32, #tpu.memory_space<vmem>>, vector<16xf32>,
        %bitcast3A_464 = vector.bitcast %get3A_463 : vector<16xf32> to vector<32xbf16>
        %mul3A_465 = arith.mulf %pack3A_150, %bitcast3A_464 : vector<32xbf16>
        %add3A_466 = arith.addf %add3A_459, %mul3A_465 : vector<32xbf16>
        %get3A_467 = arith.constant 9 : i32
        %get3A_468 = arith.index_cast %get3A_467 : i32 to index
        %get3A_469 = arith.index_cast %multiple_of3A_405 : i32 to index
        %get3A_470 = tpu.vector_load %arg8[%get3A_468, %get3A_469] {strides = array<i32>} : memref<32x384xf32, #tpu.memory_space<vmem>>, vector<16xf32>,
        %bitcast3A_471 = vector.bitcast %get3A_470 : vector<16xf32> to vector<32xbf16>
        %mul3A_472 = arith.mulf %pack3A_152, %bitcast3A_471 : vector<32xbf16>
        %add3A_473 = arith.addf %add3A_466, %mul3A_472 : vector<32xbf16>
        %get3A_474 = arith.constant 10 : i32
        %get3A_475 = arith.index_cast %get3A_474 : i32 to index
        %get3A_476 = arith.index_cast %multiple_of3A_405 : i32 to index
        %get3A_477 = tpu.vector_load %arg8[%get3A_475, %get3A_476] {strides = array<i32>} : memref<32x384xf32, #tpu.memory_space<vmem>>, vector<16xf32>,
        %bitcast3A_478 = vector.bitcast %get3A_477 : vector<16xf32> to vector<32xbf16>
        %mul3A_479 = arith.mulf %pack3A_154, %bitcast3A_478 : vector<32xbf16>
        %add3A_480 = arith.addf %add3A_473, %mul3A_479 : vector<32xbf16>
        %get3A_481 = arith.constant 11 : i32
        %get3A_482 = arith.index_cast %get3A_481 : i32 to index
        %get3A_483 = arith.index_cast %multiple_of3A_405 : i32 to index
        %get3A_484 = tpu.vector_load %arg8[%get3A_482, %get3A_483] {strides = array<i32>} : memref<32x384xf32, #tpu.memory_space<vmem>>, vector<16xf32>,
        %bitcast3A_485 = vector.bitcast %get3A_484 : vector<16xf32> to vector<32xbf16>
        %mul3A_486 = arith.mulf %pack3A_156, %bitcast3A_485 : vector<32xbf16>
        %add3A_487 = arith.addf %add3A_480, %mul3A_486 : vector<32xbf16>
        %get3A_488 = arith.constant 12 : i32
        %get3A_489 = arith.index_cast %get3A_488 : i32 to index
        %get3A_490 = arith.index_cast %multiple_of3A_405 : i32 to index
        %get3A_491 = tpu.vector_load %arg8[%get3A_489, %get3A_490] {strides = array<i32>} : memref<32x384xf32, #tpu.memory_space<vmem>>, vector<16xf32>,
        %bitcast3A_492 = vector.bitcast %get3A_491 : vector<16xf32> to vector<32xbf16>
        %mul3A_493 = arith.mulf %pack3A_158, %bitcast3A_492 : vector<32xbf16>
        %add3A_494 = arith.addf %add3A_487, %mul3A_493 : vector<32xbf16>
        %get3A_495 = arith.constant 13 : i32
        %get3A_496 = arith.index_cast %get3A_495 : i32 to index
        %get3A_497 = arith.index_cast %multiple_of3A_405 : i32 to index
        %get3A_498 = tpu.vector_load %arg8[%get3A_496, %get3A_497] {strides = array<i32>} : memref<32x384xf32, #tpu.memory_space<vmem>>, vector<16xf32>,
        %bitcast3A_499 = vector.bitcast %get3A_498 : vector<16xf32> to vector<32xbf16>
        %mul3A_500 = arith.mulf %pack3A_160, %bitcast3A_499 : vector<32xbf16>
        %add3A_501 = arith.addf %add3A_494, %mul3A_500 : vector<32xbf16>
        %get3A_502 = arith.constant 14 : i32
        %get3A_503 = arith.index_cast %get3A_502 : i32 to index
        %get3A_504 = arith.index_cast %multiple_of3A_405 : i32 to index
        %get3A_505 = tpu.vector_load %arg8[%get3A_503, %get3A_504] {strides = array<i32>} : memref<32x384xf32, #tpu.memory_space<vmem>>, vector<16xf32>,
        %bitcast3A_506 = vector.bitcast %get3A_505 : vector<16xf32> to vector<32xbf16>
        %mul3A_507 = arith.mulf %pack3A_162, %bitcast3A_506 : vector<32xbf16>
        %add3A_508 = arith.addf %add3A_501, %mul3A_507 : vector<32xbf16>
        %get3A_509 = arith.constant 15 : i32
        %get3A_510 = arith.index_cast %get3A_509 : i32 to index
        %get3A_511 = arith.index_cast %multiple_of3A_405 : i32 to index
        %get3A_512 = tpu.vector_load %arg8[%get3A_510, %get3A_511] {strides = array<i32>} : memref<32x384xf32, #tpu.memory_space<vmem>>, vector<16xf32>,
        %bitcast3A_513 = vector.bitcast %get3A_512 : vector<16xf32> to vector<32xbf16>
        %mul3A_514 = arith.mulf %pack3A_164, %bitcast3A_513 : vector<32xbf16>
        %add3A_515 = arith.addf %add3A_508, %mul3A_514 : vector<32xbf16>
        %get3A_516 = arith.constant 16 : i32
        %get3A_517 = arith.index_cast %get3A_516 : i32 to index
        %get3A_518 = arith.index_cast %multiple_of3A_405 : i32 to index
        %get3A_519 = tpu.vector_load %arg8[%get3A_517, %get3A_518] {strides = array<i32>} : memref<32x384xf32, #tpu.memory_space<vmem>>, vector<16xf32>,
        %bitcast3A_520 = vector.bitcast %get3A_519 : vector<16xf32> to vector<32xbf16>
        %mul3A_521 = arith.mulf %pack3A_166, %bitcast3A_520 : vector<32xbf16>
        %add3A_522 = arith.addf %add3A_515, %mul3A_521 : vector<32xbf16>
        %get3A_523 = arith.constant 17 : i32
        %get3A_524 = arith.index_cast %get3A_523 : i32 to index
        %get3A_525 = arith.index_cast %multiple_of3A_405 : i32 to index
        %get3A_526 = tpu.vector_load %arg8[%get3A_524, %get3A_525] {strides = array<i32>} : memref<32x384xf32, #tpu.memory_space<vmem>>, vector<16xf32>,
        %bitcast3A_527 = vector.bitcast %get3A_526 : vector<16xf32> to vector<32xbf16>
        %mul3A_528 = arith.mulf %pack3A_168, %bitcast3A_527 : vector<32xbf16>
        %add3A_529 = arith.addf %add3A_522, %mul3A_528 : vector<32xbf16>
        %get3A_530 = arith.constant 18 : i32
        %get3A_531 = arith.index_cast %get3A_530 : i32 to index
        %get3A_532 = arith.index_cast %multiple_of3A_405 : i32 to index
        %get3A_533 = tpu.vector_load %arg8[%get3A_531, %get3A_532] {strides = array<i32>} : memref<32x384xf32, #tpu.memory_space<vmem>>, vector<16xf32>,
        %bitcast3A_534 = vector.bitcast %get3A_533 : vector<16xf32> to vector<32xbf16>
        %mul3A_535 = arith.mulf %pack3A_170, %bitcast3A_534 : vector<32xbf16>
        %add3A_536 = arith.addf %add3A_529, %mul3A_535 : vector<32xbf16>
        %get3A_537 = arith.constant 19 : i32
        %get3A_538 = arith.index_cast %get3A_537 : i32 to index
        %get3A_539 = arith.index_cast %multiple_of3A_405 : i32 to index
        %get3A_540 = tpu.vector_load %arg8[%get3A_538, %get3A_539] {strides = array<i32>} : memref<32x384xf32, #tpu.memory_space<vmem>>, vector<16xf32>,
        %bitcast3A_541 = vector.bitcast %get3A_540 : vector<16xf32> to vector<32xbf16>
        %mul3A_542 = arith.mulf %pack3A_172, %bitcast3A_541 : vector<32xbf16>
        %add3A_543 = arith.addf %add3A_536, %mul3A_542 : vector<32xbf16>
        %get3A_544 = arith.constant 20 : i32
        %get3A_545 = arith.index_cast %get3A_544 : i32 to index
        %get3A_546 = arith.index_cast %multiple_of3A_405 : i32 to index
        %get3A_547 = tpu.vector_load %arg8[%get3A_545, %get3A_546] {strides = array<i32>} : memref<32x384xf32, #tpu.memory_space<vmem>>, vector<16xf32>,
        %bitcast3A_548 = vector.bitcast %get3A_547 : vector<16xf32> to vector<32xbf16>
        %mul3A_549 = arith.mulf %pack3A_174, %bitcast3A_548 : vector<32xbf16>
        %add3A_550 = arith.addf %add3A_543, %mul3A_549 : vector<32xbf16>
        %get3A_551 = arith.constant 21 : i32
        %get3A_552 = arith.index_cast %get3A_551 : i32 to index
        %get3A_553 = arith.index_cast %multiple_of3A_405 : i32 to index
        %get3A_554 = tpu.vector_load %arg8[%get3A_552, %get3A_553] {strides = array<i32>} : memref<32x384xf32, #tpu.memory_space<vmem>>, vector<16xf32>,
        %bitcast3A_555 = vector.bitcast %get3A_554 : vector<16xf32> to vector<32xbf16>
        %mul3A_556 = arith.mulf %pack3A_176, %bitcast3A_555 : vector<32xbf16>
        %add3A_557 = arith.addf %add3A_550, %mul3A_556 : vector<32xbf16>
        %get3A_558 = arith.constant 22 : i32
        %get3A_559 = arith.index_cast %get3A_558 : i32 to index
        %get3A_560 = arith.index_cast %multiple_of3A_405 : i32 to index
        %get3A_561 = tpu.vector_load %arg8[%get3A_559, %get3A_560] {strides = array<i32>} : memref<32x384xf32, #tpu.memory_space<vmem>>, vector<16xf32>,
        %bitcast3A_562 = vector.bitcast %get3A_561 : vector<16xf32> to vector<32xbf16>
        %mul3A_563 = arith.mulf %pack3A_178, %bitcast3A_562 : vector<32xbf16>
        %add3A_564 = arith.addf %add3A_557, %mul3A_563 : vector<32xbf16>
        %get3A_565 = arith.constant 23 : i32
        %get3A_566 = arith.index_cast %get3A_565 : i32 to index
        %get3A_567 = arith.index_cast %multiple_of3A_405 : i32 to index
        %get3A_568 = tpu.vector_load %arg8[%get3A_566, %get3A_567] {strides = array<i32>} : memref<32x384xf32, #tpu.memory_space<vmem>>, vector<16xf32>,
        %bitcast3A_569 = vector.bitcast %get3A_568 : vector<16xf32> to vector<32xbf16>
        %mul3A_570 = arith.mulf %pack3A_180, %bitcast3A_569 : vector<32xbf16>
        %add3A_571 = arith.addf %add3A_564, %mul3A_570 : vector<32xbf16>
        %get3A_572 = arith.constant 24 : i32
        %get3A_573 = arith.index_cast %get3A_572 : i32 to index
        %get3A_574 = arith.index_cast %multiple_of3A_405 : i32 to index
        %get3A_575 = tpu.vector_load %arg8[%get3A_573, %get3A_574] {strides = array<i32>} : memref<32x384xf32, #tpu.memory_space<vmem>>, vector<16xf32>,
        %bitcast3A_576 = vector.bitcast %get3A_575 : vector<16xf32> to vector<32xbf16>
        %mul3A_577 = arith.mulf %pack3A_182, %bitcast3A_576 : vector<32xbf16>
        %add3A_578 = arith.addf %add3A_571, %mul3A_577 : vector<32xbf16>
        %get3A_579 = arith.constant 25 : i32
        %get3A_580 = arith.index_cast %get3A_579 : i32 to index
        %get3A_581 = arith.index_cast %multiple_of3A_405 : i32 to index
        %get3A_582 = tpu.vector_load %arg8[%get3A_580, %get3A_581] {strides = array<i32>} : memref<32x384xf32, #tpu.memory_space<vmem>>, vector<16xf32>,
        %bitcast3A_583 = vector.bitcast %get3A_582 : vector<16xf32> to vector<32xbf16>
        %mul3A_584 = arith.mulf %pack3A_184, %bitcast3A_583 : vector<32xbf16>
        %add3A_585 = arith.addf %add3A_578, %mul3A_584 : vector<32xbf16>
        %get3A_586 = arith.constant 26 : i32
        %get3A_587 = arith.index_cast %get3A_586 : i32 to index
        %get3A_588 = arith.index_cast %multiple_of3A_405 : i32 to index
        %get3A_589 = tpu.vector_load %arg8[%get3A_587, %get3A_588] {strides = array<i32>} : memref<32x384xf32, #tpu.memory_space<vmem>>, vector<16xf32>,
        %bitcast3A_590 = vector.bitcast %get3A_589 : vector<16xf32> to vector<32xbf16>
        %mul3A_591 = arith.mulf %pack3A_186, %bitcast3A_590 : vector<32xbf16>
        %add3A_592 = arith.addf %add3A_585, %mul3A_591 : vector<32xbf16>
        %get3A_593 = arith.constant 27 : i32
        %get3A_594 = arith.index_cast %get3A_593 : i32 to index
        %get3A_595 = arith.index_cast %multiple_of3A_405 : i32 to index
        %get3A_596 = tpu.vector_load %arg8[%get3A_594, %get3A_595] {strides = array<i32>} : memref<32x384xf32, #tpu.memory_space<vmem>>, vector<16xf32>,
        %bitcast3A_597 = vector.bitcast %get3A_596 : vector<16xf32> to vector<32xbf16>
        %mul3A_598 = arith.mulf %pack3A_188, %bitcast3A_597 : vector<32xbf16>
        %add3A_599 = arith.addf %add3A_592, %mul3A_598 : vector<32xbf16>
        %get3A_600 = arith.constant 28 : i32
        %get3A_601 = arith.index_cast %get3A_600 : i32 to index
        %get3A_602 = arith.index_cast %multiple_of3A_405 : i32 to index
        %get3A_603 = tpu.vector_load %arg8[%get3A_601, %get3A_602] {strides = array<i32>} : memref<32x384xf32, #tpu.memory_space<vmem>>, vector<16xf32>,
        %bitcast3A_604 = vector.bitcast %get3A_603 : vector<16xf32> to vector<32xbf16>
        %mul3A_605 = arith.mulf %pack3A_190, %bitcast3A_604 : vector<32xbf16>
        %add3A_606 = arith.addf %add3A_599, %mul3A_605 : vector<32xbf16>
        %get3A_607 = arith.constant 29 : i32
        %get3A_608 = arith.index_cast %get3A_607 : i32 to index
        %get3A_609 = arith.index_cast %multiple_of3A_405 : i32 to index
        %get3A_610 = tpu.vector_load %arg8[%get3A_608, %get3A_609] {strides = array<i32>} : memref<32x384xf32, #tpu.memory_space<vmem>>, vector<16xf32>,
        %bitcast3A_611 = vector.bitcast %get3A_610 : vector<16xf32> to vector<32xbf16>
        %mul3A_612 = arith.mulf %pack3A_192, %bitcast3A_611 : vector<32xbf16>
        %add3A_613 = arith.addf %add3A_606, %mul3A_612 : vector<32xbf16>
        %get3A_614 = arith.constant 30 : i32
        %get3A_615 = arith.index_cast %get3A_614 : i32 to index
        %get3A_616 = arith.index_cast %multiple_of3A_405 : i32 to index
        %get3A_617 = tpu.vector_load %arg8[%get3A_615, %get3A_616] {strides = array<i32>} : memref<32x384xf32, #tpu.memory_space<vmem>>, vector<16xf32>,
        %bitcast3A_618 = vector.bitcast %get3A_617 : vector<16xf32> to vector<32xbf16>
        %mul3A_619 = arith.mulf %pack3A_194, %bitcast3A_618 : vector<32xbf16>
        %add3A_620 = arith.addf %add3A_613, %mul3A_619 : vector<32xbf16>
        %get3A_621 = arith.constant 31 : i32
        %get3A_622 = arith.index_cast %get3A_621 : i32 to index
        %get3A_623 = arith.index_cast %multiple_of3A_405 : i32 to index
        %get3A_624 = tpu.vector_load %arg8[%get3A_622, %get3A_623] {strides = array<i32>} : memref<32x384xf32, #tpu.memory_space<vmem>>, vector<16xf32>,
        %bitcast3A_625 = vector.bitcast %get3A_624 : vector<16xf32> to vector<32xbf16>
        %mul3A_626 = arith.mulf %pack3A_196, %bitcast3A_625 : vector<32xbf16>
        %add3A_627 = arith.addf %add3A_620, %mul3A_626 : vector<32xbf16>
        %bitcast3A_628 = vector.bitcast %add3A_627 : vector<32xbf16> to vector<16xf32>
        %swap3A = arith.index_cast %multiple_of3A_405 : i32 to index
        %swap3A_629 = tpu.vector_load %arg10[%swap3A] {strides = array<i32>} : memref<384xf32, #tpu.memory_space<vmem>>, vector<16xf32>,
        tpu.vector_store %arg10[%swap3A], %bitcast3A_628 {strides = array<i32>} : memref<384xf32, #tpu.memory_space<vmem>>, vector<16xf32>,
      }
      %scan3A_203 = arith.constant 24 : i32
      %add3A_204 = arith.addi %mul3A_2, %mul3A_30 : i32
      %mul3A_205 = arith.constant 384 : i32
      %mul3A_206 = arith.muli %add3A_204, %mul3A_205 : i32
      %dma_start3A_207 = tpu.memref_slice %arg5[%mul3A_206] : memref<1572864xf32, #tpu.memory_space<hbm>> -> memref<384xf32, #tpu.memory_space<hbm>>
      %dma_start3A_208 = tpu.memref_slice %arg5[%mul3A_206] : memref<1572864xf32, #tpu.memory_space<hbm>> -> memref<384xf32, #tpu.memory_space<hbm>>
      tpu.enqueue_dma source(%arg10 : memref<384xf32, #tpu.memory_space<vmem>>) target(%dma_start3A_208 : memref<384xf32, #tpu.memory_space<hbm>>) target_semaphore(%arg14 : memref<!tpu.dma_semaphore, #tpu.memory_space<semaphore_mem>>)
      %add3A_209 = arith.constant 1 : i32
      %add3A_210 = arith.addi %scan3A_28, %add3A_209 : i32
      %lt3A = arith.constant 64 : i32
      %lt3A_211 = arith.cmpi slt, %add3A_210, %lt3A : i32
      %convert_element_type3A_212 = arith.extui %lt3A_211 : i1 to i32
      %cond3A_213 = arith.constant 0 : i32
      %cond3A_214 = arith.cmpi ne, %convert_element_type3A_212, %cond3A_213 : i32
      scf.if %cond3A_214 {
        %add3A_402 = arith.constant 2 : i32
        %add3A_403 = arith.addi %mul3A_30, %add3A_402 : i32
        %mul3A_404 = arith.constant 32 : i32
        %mul3A_405 = arith.muli %add3A_403, %mul3A_404 : i32
        %multiple_of3A_406 = tpu.assume_multiple %mul3A_405, 32 : i32
        %dma_start3A_407 = tpu.memref_slice %arg7[%multiple_of3A_406] : memref<4096xi32, #tpu.memory_space<vmem>> -> memref<32xi32, #tpu.memory_space<vmem>>
        %dma_start3A_408 = arith.constant 0 : i32
        %dma_start3A_409 = arith.constant 0 : i32
        %dma_start3A_410 = tpu.memref_slice %arg3[%dma_start3A_408, %dma_start3A_409] : memref<30528x384xf32, #tpu.memory_space<hbm>> -> memref<30528x384xf32, #tpu.memory_space<hbm>>
        tpu.enqueue_indirect_dma source(%dma_start3A_410 : memref<30528x384xf32, #tpu.memory_space<hbm>>) target(%arg8 : memref<32x384xf32, #tpu.memory_space<vmem>>) offsets(%dma_start3A_407 : memref<32xi32, #tpu.memory_space<vmem>>) semaphore(%arg12 : memref<!tpu.dma_semaphore, #tpu.memory_space<semaphore_mem>>)
      } else {
      }
      %add3A_215 = arith.constant 1 : i32
      %add3A_216 = arith.addi %mul3A_30, %add3A_215 : i32
      %mul3A_217 = arith.constant 32 : i32
      %mul3A_218 = arith.muli %add3A_216, %mul3A_217 : i32
      %multiple_of3A_219 = tpu.assume_multiple %mul3A_218, 32 : i32
      %dma_wait3A_220 = tpu.memref_slice %arg7[%multiple_of3A_219] : memref<4096xi32, #tpu.memory_space<vmem>> -> memref<32xi32, #tpu.memory_space<vmem>>
      %dma_wait3A_221 = arith.constant 0 : i32
      %dma_wait3A_222 = arith.constant 0 : i32
      %dma_wait3A_223 = tpu.memref_slice %arg3[%dma_wait3A_221, %dma_wait3A_222] : memref<30528x384xf32, #tpu.memory_space<hbm>> -> memref<30528x384xf32, #tpu.memory_space<hbm>>
      tpu.wait_indirect_dma semaphore(%arg13 : memref<!tpu.dma_semaphore, #tpu.memory_space<semaphore_mem>>) src(%dma_wait3A_223 : memref<30528x384xf32, #tpu.memory_space<hbm>>) dst(%arg9 : memref<32x384xf32, #tpu.memory_space<vmem>>)
      %add3A_224 = arith.constant 1 : i32
      %add3A_225 = arith.addi %mul3A_30, %add3A_224 : i32
      %gt3A_226 = arith.constant 0 : i32
      %gt3A_227 = arith.cmpi sgt, %scan3A_28, %gt3A_226 : i32
      %mul3A_228 = arith.constant 32 : i32
      %mul3A_229 = arith.muli %add3A_225, %mul3A_228 : i32
      %multiple_of3A_230 = tpu.assume_multiple %mul3A_229, 32 : i32
      %get3A_231 = arith.index_cast %multiple_of3A_230 : i32 to index
      %get3A_232 = tpu.vector_load %arg7[%get3A_231] {strides = array<i32>} : memref<4096xi32, #tpu.memory_space<vmem>>, vector<16xi32>,
      %add3A_233 = arith.constant 16 : i32
      %add3A_234 = arith.addi %multiple_of3A_230, %add3A_233 : i32
      %get3A_235 = arith.index_cast %add3A_234 : i32 to index
      %get3A_236 = tpu.vector_load %arg7[%get3A_235] {strides = array<i32>} : memref<4096xi32, #tpu.memory_space<vmem>>, vector<16xi32>,
      %gather3A_237 = tpu.vector_load_idx %arg6[%get3A_232] : memref<30528xf32, #tpu.memory_space<vmem>>[vector<16xi32>], vector<16xf32>,
      %gather3A_238 = tpu.vector_load_idx %arg6[%get3A_236] : memref<30528xf32, #tpu.memory_space<vmem>>[vector<16xi32>], vector<16xf32>,
      %max3A_239 = arith.maximumf %gather3A_237, %gather3A_238 : vector<16xf32>
      %reduce_max3A_240 = arith.constant true
      %reduce_max3A_241 = vector.broadcast %reduce_max3A_240 : i1 to vector<16xi1>
      %reduce_max3A_242 = tpu.scan <max>, %max3A_239 masked %reduce_max3A_241 : vector<16xf32>, vector<16xi1> -> vector<16xf32>
      %reduce_max3A_243 = vector.extract %reduce_max3A_242[15] : f32 from vector<16xf32>
      %broadcast_in_dim3A_244 = vector.broadcast %reduce_max3A_243 : f32 to vector<16xf32>
      %sub3A_245 = arith.subf %gather3A_237, %broadcast_in_dim3A_244 : vector<16xf32>
      %exp3A_246 = math.exp %sub3A_245 : vector<16xf32>
      %sub3A_247 = arith.subf %gather3A_238, %broadcast_in_dim3A_244 : vector<16xf32>
      %exp3A_248 = math.exp %sub3A_247 : vector<16xf32>
      %broadcast_in_dim3A_249 = arith.constant 1.000000e+00 : f32
      %broadcast_in_dim3A_250 = vector.broadcast %broadcast_in_dim3A_249 : f32 to vector<16xf32>
      %add3A_251 = arith.addf %exp3A_246, %exp3A_248 : vector<16xf32>
      %reduce_sum3A_252 = arith.constant true
      %reduce_sum3A_253 = vector.broadcast %reduce_sum3A_252 : i1 to vector<16xi1>
      %reduce_sum3A_254 = tpu.scan <sum>, %add3A_251 masked %reduce_sum3A_253 : vector<16xf32>, vector<16xi1> -> vector<16xf32>
      %reduce_sum3A_255 = vector.extract %reduce_sum3A_254[15] : f32 from vector<16xf32>
      %broadcast_in_dim3A_256 = vector.broadcast %reduce_sum3A_255 : f32 to vector<16xf32>
      %div3A_257 = arith.divf %broadcast_in_dim3A_250, %broadcast_in_dim3A_256 : vector<16xf32>
      %mul3A_258 = arith.mulf %exp3A_246, %div3A_257 : vector<16xf32>
      %mul3A_259 = arith.mulf %exp3A_248, %div3A_257 : vector<16xf32>
      %slice3A_260 = vector.extract_strided_slice %mul3A_258 {offsets = [0], sizes = [1], strides = [1]} : vector<16xf32> to vector<1xf32>
      %squeeze3A_261 = vector.extract %slice3A_260[0] : f32 from vector<1xf32>
      %slice3A_262 = vector.extract_strided_slice %mul3A_258 {offsets = [1], sizes = [1], strides = [1]} : vector<16xf32> to vector<1xf32>
      %squeeze3A_263 = vector.extract %slice3A_262[0] : f32 from vector<1xf32>
      %slice3A_264 = vector.extract_strided_slice %mul3A_258 {offsets = [2], sizes = [1], strides = [1]} : vector<16xf32> to vector<1xf32>
      %squeeze3A_265 = vector.extract %slice3A_264[0] : f32 from vector<1xf32>
      %slice3A_266 = vector.extract_strided_slice %mul3A_258 {offsets = [3], sizes = [1], strides = [1]} : vector<16xf32> to vector<1xf32>
      %squeeze3A_267 = vector.extract %slice3A_266[0] : f32 from vector<1xf32>
      %slice3A_268 = vector.extract_strided_slice %mul3A_258 {offsets = [4], sizes = [1], strides = [1]} : vector<16xf32> to vector<1xf32>
      %squeeze3A_269 = vector.extract %slice3A_268[0] : f32 from vector<1xf32>
      %slice3A_270 = vector.extract_strided_slice %mul3A_258 {offsets = [5], sizes = [1], strides = [1]} : vector<16xf32> to vector<1xf32>
      %squeeze3A_271 = vector.extract %slice3A_270[0] : f32 from vector<1xf32>
      %slice3A_272 = vector.extract_strided_slice %mul3A_258 {offsets = [6], sizes = [1], strides = [1]} : vector<16xf32> to vector<1xf32>
      %squeeze3A_273 = vector.extract %slice3A_272[0] : f32 from vector<1xf32>
      %slice3A_274 = vector.extract_strided_slice %mul3A_258 {offsets = [7], sizes = [1], strides = [1]} : vector<16xf32> to vector<1xf32>
      %squeeze3A_275 = vector.extract %slice3A_274[0] : f32 from vector<1xf32>
      %slice3A_276 = vector.extract_strided_slice %mul3A_258 {offsets = [8], sizes = [1], strides = [1]} : vector<16xf32> to vector<1xf32>
      %squeeze3A_277 = vector.extract %slice3A_276[0] : f32 from vector<1xf32>
      %slice3A_278 = vector.extract_strided_slice %mul3A_258 {offsets = [9], sizes = [1], strides = [1]} : vector<16xf32> to vector<1xf32>
      %squeeze3A_279 = vector.extract %slice3A_278[0] : f32 from vector<1xf32>
      %slice3A_280 = vector.extract_strided_slice %mul3A_258 {offsets = [10], sizes = [1], strides = [1]} : vector<16xf32> to vector<1xf32>
      %squeeze3A_281 = vector.extract %slice3A_280[0] : f32 from vector<1xf32>
      %slice3A_282 = vector.extract_strided_slice %mul3A_258 {offsets = [11], sizes = [1], strides = [1]} : vector<16xf32> to vector<1xf32>
      %squeeze3A_283 = vector.extract %slice3A_282[0] : f32 from vector<1xf32>
      %slice3A_284 = vector.extract_strided_slice %mul3A_258 {offsets = [12], sizes = [1], strides = [1]} : vector<16xf32> to vector<1xf32>
      %squeeze3A_285 = vector.extract %slice3A_284[0] : f32 from vector<1xf32>
      %slice3A_286 = vector.extract_strided_slice %mul3A_258 {offsets = [13], sizes = [1], strides = [1]} : vector<16xf32> to vector<1xf32>
      %squeeze3A_287 = vector.extract %slice3A_286[0] : f32 from vector<1xf32>
      %slice3A_288 = vector.extract_strided_slice %mul3A_258 {offsets = [14], sizes = [1], strides = [1]} : vector<16xf32> to vector<1xf32>
      %squeeze3A_289 = vector.extract %slice3A_288[0] : f32 from vector<1xf32>
      %slice3A_290 = vector.extract_strided_slice %mul3A_258 {offsets = [15], sizes = [1], strides = [1]} : vector<16xf32> to vector<1xf32>
      %squeeze3A_291 = vector.extract %slice3A_290[0] : f32 from vector<1xf32>
      %slice3A_292 = vector.extract_strided_slice %mul3A_259 {offsets = [0], sizes = [1], strides = [1]} : vector<16xf32> to vector<1xf32>
      %squeeze3A_293 = vector.extract %slice3A_292[0] : f32 from vector<1xf32>
      %slice3A_294 = vector.extract_strided_slice %mul3A_259 {offsets = [1], sizes = [1], strides = [1]} : vector<16xf32> to vector<1xf32>
      %squeeze3A_295 = vector.extract %slice3A_294[0] : f32 from vector<1xf32>
      %slice3A_296 = vector.extract_strided_slice %mul3A_259 {offsets = [2], sizes = [1], strides = [1]} : vector<16xf32> to vector<1xf32>
      %squeeze3A_297 = vector.extract %slice3A_296[0] : f32 from vector<1xf32>
      %slice3A_298 = vector.extract_strided_slice %mul3A_259 {offsets = [3], sizes = [1], strides = [1]} : vector<16xf32> to vector<1xf32>
      %squeeze3A_299 = vector.extract %slice3A_298[0] : f32 from vector<1xf32>
      %slice3A_300 = vector.extract_strided_slice %mul3A_259 {offsets = [4], sizes = [1], strides = [1]} : vector<16xf32> to vector<1xf32>
      %squeeze3A_301 = vector.extract %slice3A_300[0] : f32 from vector<1xf32>
      %slice3A_302 = vector.extract_strided_slice %mul3A_259 {offsets = [5], sizes = [1], strides = [1]} : vector<16xf32> to vector<1xf32>
      %squeeze3A_303 = vector.extract %slice3A_302[0] : f32 from vector<1xf32>
      %slice3A_304 = vector.extract_strided_slice %mul3A_259 {offsets = [6], sizes = [1], strides = [1]} : vector<16xf32> to vector<1xf32>
      %squeeze3A_305 = vector.extract %slice3A_304[0] : f32 from vector<1xf32>
      %slice3A_306 = vector.extract_strided_slice %mul3A_259 {offsets = [7], sizes = [1], strides = [1]} : vector<16xf32> to vector<1xf32>
      %squeeze3A_307 = vector.extract %slice3A_306[0] : f32 from vector<1xf32>
      %slice3A_308 = vector.extract_strided_slice %mul3A_259 {offsets = [8], sizes = [1], strides = [1]} : vector<16xf32> to vector<1xf32>
      %squeeze3A_309 = vector.extract %slice3A_308[0] : f32 from vector<1xf32>
      %slice3A_310 = vector.extract_strided_slice %mul3A_259 {offsets = [9], sizes = [1], strides = [1]} : vector<16xf32> to vector<1xf32>
      %squeeze3A_311 = vector.extract %slice3A_310[0] : f32 from vector<1xf32>
      %slice3A_312 = vector.extract_strided_slice %mul3A_259 {offsets = [10], sizes = [1], strides = [1]} : vector<16xf32> to vector<1xf32>
      %squeeze3A_313 = vector.extract %slice3A_312[0] : f32 from vector<1xf32>
      %slice3A_314 = vector.extract_strided_slice %mul3A_259 {offsets = [11], sizes = [1], strides = [1]} : vector<16xf32> to vector<1xf32>
      %squeeze3A_315 = vector.extract %slice3A_314[0] : f32 from vector<1xf32>
      %slice3A_316 = vector.extract_strided_slice %mul3A_259 {offsets = [12], sizes = [1], strides = [1]} : vector<16xf32> to vector<1xf32>
      %squeeze3A_317 = vector.extract %slice3A_316[0] : f32 from vector<1xf32>
      %slice3A_318 = vector.extract_strided_slice %mul3A_259 {offsets = [13], sizes = [1], strides = [1]} : vector<16xf32> to vector<1xf32>
      %squeeze3A_319 = vector.extract %slice3A_318[0] : f32 from vector<1xf32>
      %slice3A_320 = vector.extract_strided_slice %mul3A_259 {offsets = [14], sizes = [1], strides = [1]} : vector<16xf32> to vector<1xf32>
      %squeeze3A_321 = vector.extract %slice3A_320[0] : f32 from vector<1xf32>
      %slice3A_322 = vector.extract_strided_slice %mul3A_259 {offsets = [15], sizes = [1], strides = [1]} : vector<16xf32> to vector<1xf32>
      %squeeze3A_323 = vector.extract %slice3A_322[0] : f32 from vector<1xf32>
      %broadcast_in_dim3A_324 = vector.broadcast %squeeze3A_261 : f32 to vector<16xf32>
      %pack3A_325 = tpu.pack_subelements %broadcast_in_dim3A_324, %broadcast_in_dim3A_324 {pack_format = #tpu.pack_format<interleaved>, positions = array<i32: 0, 1>} : vector<16xf32>, vector<16xf32> -> vector<32xbf16>
      %broadcast_in_dim3A_326 = vector.broadcast %squeeze3A_263 : f32 to vector<16xf32>
      %pack3A_327 = tpu.pack_subelements %broadcast_in_dim3A_326, %broadcast_in_dim3A_326 {pack_format = #tpu.pack_format<interleaved>, positions = array<i32: 0, 1>} : vector<16xf32>, vector<16xf32> -> vector<32xbf16>
      %broadcast_in_dim3A_328 = vector.broadcast %squeeze3A_265 : f32 to vector<16xf32>
      %pack3A_329 = tpu.pack_subelements %broadcast_in_dim3A_328, %broadcast_in_dim3A_328 {pack_format = #tpu.pack_format<interleaved>, positions = array<i32: 0, 1>} : vector<16xf32>, vector<16xf32> -> vector<32xbf16>
      %broadcast_in_dim3A_330 = vector.broadcast %squeeze3A_267 : f32 to vector<16xf32>
      %pack3A_331 = tpu.pack_subelements %broadcast_in_dim3A_330, %broadcast_in_dim3A_330 {pack_format = #tpu.pack_format<interleaved>, positions = array<i32: 0, 1>} : vector<16xf32>, vector<16xf32> -> vector<32xbf16>
      %broadcast_in_dim3A_332 = vector.broadcast %squeeze3A_269 : f32 to vector<16xf32>
      %pack3A_333 = tpu.pack_subelements %broadcast_in_dim3A_332, %broadcast_in_dim3A_332 {pack_format = #tpu.pack_format<interleaved>, positions = array<i32: 0, 1>} : vector<16xf32>, vector<16xf32> -> vector<32xbf16>
      %broadcast_in_dim3A_334 = vector.broadcast %squeeze3A_271 : f32 to vector<16xf32>
      %pack3A_335 = tpu.pack_subelements %broadcast_in_dim3A_334, %broadcast_in_dim3A_334 {pack_format = #tpu.pack_format<interleaved>, positions = array<i32: 0, 1>} : vector<16xf32>, vector<16xf32> -> vector<32xbf16>
      %broadcast_in_dim3A_336 = vector.broadcast %squeeze3A_273 : f32 to vector<16xf32>
      %pack3A_337 = tpu.pack_subelements %broadcast_in_dim3A_336, %broadcast_in_dim3A_336 {pack_format = #tpu.pack_format<interleaved>, positions = array<i32: 0, 1>} : vector<16xf32>, vector<16xf32> -> vector<32xbf16>
      %broadcast_in_dim3A_338 = vector.broadcast %squeeze3A_275 : f32 to vector<16xf32>
      %pack3A_339 = tpu.pack_subelements %broadcast_in_dim3A_338, %broadcast_in_dim3A_338 {pack_format = #tpu.pack_format<interleaved>, positions = array<i32: 0, 1>} : vector<16xf32>, vector<16xf32> -> vector<32xbf16>
      %broadcast_in_dim3A_340 = vector.broadcast %squeeze3A_277 : f32 to vector<16xf32>
      %pack3A_341 = tpu.pack_subelements %broadcast_in_dim3A_340, %broadcast_in_dim3A_340 {pack_format = #tpu.pack_format<interleaved>, positions = array<i32: 0, 1>} : vector<16xf32>, vector<16xf32> -> vector<32xbf16>
      %broadcast_in_dim3A_342 = vector.broadcast %squeeze3A_279 : f32 to vector<16xf32>
      %pack3A_343 = tpu.pack_subelements %broadcast_in_dim3A_342, %broadcast_in_dim3A_342 {pack_format = #tpu.pack_format<interleaved>, positions = array<i32: 0, 1>} : vector<16xf32>, vector<16xf32> -> vector<32xbf16>
      %broadcast_in_dim3A_344 = vector.broadcast %squeeze3A_281 : f32 to vector<16xf32>
      %pack3A_345 = tpu.pack_subelements %broadcast_in_dim3A_344, %broadcast_in_dim3A_344 {pack_format = #tpu.pack_format<interleaved>, positions = array<i32: 0, 1>} : vector<16xf32>, vector<16xf32> -> vector<32xbf16>
      %broadcast_in_dim3A_346 = vector.broadcast %squeeze3A_283 : f32 to vector<16xf32>
      %pack3A_347 = tpu.pack_subelements %broadcast_in_dim3A_346, %broadcast_in_dim3A_346 {pack_format = #tpu.pack_format<interleaved>, positions = array<i32: 0, 1>} : vector<16xf32>, vector<16xf32> -> vector<32xbf16>
      %broadcast_in_dim3A_348 = vector.broadcast %squeeze3A_285 : f32 to vector<16xf32>
      %pack3A_349 = tpu.pack_subelements %broadcast_in_dim3A_348, %broadcast_in_dim3A_348 {pack_format = #tpu.pack_format<interleaved>, positions = array<i32: 0, 1>} : vector<16xf32>, vector<16xf32> -> vector<32xbf16>
      %broadcast_in_dim3A_350 = vector.broadcast %squeeze3A_287 : f32 to vector<16xf32>
      %pack3A_351 = tpu.pack_subelements %broadcast_in_dim3A_350, %broadcast_in_dim3A_350 {pack_format = #tpu.pack_format<interleaved>, positions = array<i32: 0, 1>} : vector<16xf32>, vector<16xf32> -> vector<32xbf16>
      %broadcast_in_dim3A_352 = vector.broadcast %squeeze3A_289 : f32 to vector<16xf32>
      %pack3A_353 = tpu.pack_subelements %broadcast_in_dim3A_352, %broadcast_in_dim3A_352 {pack_format = #tpu.pack_format<interleaved>, positions = array<i32: 0, 1>} : vector<16xf32>, vector<16xf32> -> vector<32xbf16>
      %broadcast_in_dim3A_354 = vector.broadcast %squeeze3A_291 : f32 to vector<16xf32>
      %pack3A_355 = tpu.pack_subelements %broadcast_in_dim3A_354, %broadcast_in_dim3A_354 {pack_format = #tpu.pack_format<interleaved>, positions = array<i32: 0, 1>} : vector<16xf32>, vector<16xf32> -> vector<32xbf16>
      %broadcast_in_dim3A_356 = vector.broadcast %squeeze3A_293 : f32 to vector<16xf32>
      %pack3A_357 = tpu.pack_subelements %broadcast_in_dim3A_356, %broadcast_in_dim3A_356 {pack_format = #tpu.pack_format<interleaved>, positions = array<i32: 0, 1>} : vector<16xf32>, vector<16xf32> -> vector<32xbf16>
      %broadcast_in_dim3A_358 = vector.broadcast %squeeze3A_295 : f32 to vector<16xf32>
      %pack3A_359 = tpu.pack_subelements %broadcast_in_dim3A_358, %broadcast_in_dim3A_358 {pack_format = #tpu.pack_format<interleaved>, positions = array<i32: 0, 1>} : vector<16xf32>, vector<16xf32> -> vector<32xbf16>
      %broadcast_in_dim3A_360 = vector.broadcast %squeeze3A_297 : f32 to vector<16xf32>
      %pack3A_361 = tpu.pack_subelements %broadcast_in_dim3A_360, %broadcast_in_dim3A_360 {pack_format = #tpu.pack_format<interleaved>, positions = array<i32: 0, 1>} : vector<16xf32>, vector<16xf32> -> vector<32xbf16>
      %broadcast_in_dim3A_362 = vector.broadcast %squeeze3A_299 : f32 to vector<16xf32>
      %pack3A_363 = tpu.pack_subelements %broadcast_in_dim3A_362, %broadcast_in_dim3A_362 {pack_format = #tpu.pack_format<interleaved>, positions = array<i32: 0, 1>} : vector<16xf32>, vector<16xf32> -> vector<32xbf16>
      %broadcast_in_dim3A_364 = vector.broadcast %squeeze3A_301 : f32 to vector<16xf32>
      %pack3A_365 = tpu.pack_subelements %broadcast_in_dim3A_364, %broadcast_in_dim3A_364 {pack_format = #tpu.pack_format<interleaved>, positions = array<i32: 0, 1>} : vector<16xf32>, vector<16xf32> -> vector<32xbf16>
      %broadcast_in_dim3A_366 = vector.broadcast %squeeze3A_303 : f32 to vector<16xf32>
      %pack3A_367 = tpu.pack_subelements %broadcast_in_dim3A_366, %broadcast_in_dim3A_366 {pack_format = #tpu.pack_format<interleaved>, positions = array<i32: 0, 1>} : vector<16xf32>, vector<16xf32> -> vector<32xbf16>
      %broadcast_in_dim3A_368 = vector.broadcast %squeeze3A_305 : f32 to vector<16xf32>
      %pack3A_369 = tpu.pack_subelements %broadcast_in_dim3A_368, %broadcast_in_dim3A_368 {pack_format = #tpu.pack_format<interleaved>, positions = array<i32: 0, 1>} : vector<16xf32>, vector<16xf32> -> vector<32xbf16>
      %broadcast_in_dim3A_370 = vector.broadcast %squeeze3A_307 : f32 to vector<16xf32>
      %pack3A_371 = tpu.pack_subelements %broadcast_in_dim3A_370, %broadcast_in_dim3A_370 {pack_format = #tpu.pack_format<interleaved>, positions = array<i32: 0, 1>} : vector<16xf32>, vector<16xf32> -> vector<32xbf16>
      %broadcast_in_dim3A_372 = vector.broadcast %squeeze3A_309 : f32 to vector<16xf32>
      %pack3A_373 = tpu.pack_subelements %broadcast_in_dim3A_372, %broadcast_in_dim3A_372 {pack_format = #tpu.pack_format<interleaved>, positions = array<i32: 0, 1>} : vector<16xf32>, vector<16xf32> -> vector<32xbf16>
      %broadcast_in_dim3A_374 = vector.broadcast %squeeze3A_311 : f32 to vector<16xf32>
      %pack3A_375 = tpu.pack_subelements %broadcast_in_dim3A_374, %broadcast_in_dim3A_374 {pack_format = #tpu.pack_format<interleaved>, positions = array<i32: 0, 1>} : vector<16xf32>, vector<16xf32> -> vector<32xbf16>
      %broadcast_in_dim3A_376 = vector.broadcast %squeeze3A_313 : f32 to vector<16xf32>
      %pack3A_377 = tpu.pack_subelements %broadcast_in_dim3A_376, %broadcast_in_dim3A_376 {pack_format = #tpu.pack_format<interleaved>, positions = array<i32: 0, 1>} : vector<16xf32>, vector<16xf32> -> vector<32xbf16>
      %broadcast_in_dim3A_378 = vector.broadcast %squeeze3A_315 : f32 to vector<16xf32>
      %pack3A_379 = tpu.pack_subelements %broadcast_in_dim3A_378, %broadcast_in_dim3A_378 {pack_format = #tpu.pack_format<interleaved>, positions = array<i32: 0, 1>} : vector<16xf32>, vector<16xf32> -> vector<32xbf16>
      %broadcast_in_dim3A_380 = vector.broadcast %squeeze3A_317 : f32 to vector<16xf32>
      %pack3A_381 = tpu.pack_subelements %broadcast_in_dim3A_380, %broadcast_in_dim3A_380 {pack_format = #tpu.pack_format<interleaved>, positions = array<i32: 0, 1>} : vector<16xf32>, vector<16xf32> -> vector<32xbf16>
      %broadcast_in_dim3A_382 = vector.broadcast %squeeze3A_319 : f32 to vector<16xf32>
      %pack3A_383 = tpu.pack_subelements %broadcast_in_dim3A_382, %broadcast_in_dim3A_382 {pack_format = #tpu.pack_format<interleaved>, positions = array<i32: 0, 1>} : vector<16xf32>, vector<16xf32> -> vector<32xbf16>
      %broadcast_in_dim3A_384 = vector.broadcast %squeeze3A_321 : f32 to vector<16xf32>
      %pack3A_385 = tpu.pack_subelements %broadcast_in_dim3A_384, %broadcast_in_dim3A_384 {pack_format = #tpu.pack_format<interleaved>, positions = array<i32: 0, 1>} : vector<16xf32>, vector<16xf32> -> vector<32xbf16>
      %broadcast_in_dim3A_386 = vector.broadcast %squeeze3A_323 : f32 to vector<16xf32>
      %pack3A_387 = tpu.pack_subelements %broadcast_in_dim3A_386, %broadcast_in_dim3A_386 {pack_format = #tpu.pack_format<interleaved>, positions = array<i32: 0, 1>} : vector<16xf32>, vector<16xf32> -> vector<32xbf16>
      %convert_element_type3A_388 = arith.extui %gt3A_227 : i1 to i32
      %cond3A_389 = arith.constant 0 : i32
      %cond3A_390 = arith.cmpi ne, %convert_element_type3A_388, %cond3A_389 : i32
      scf.if %cond3A_390 {
        %add3A_402 = arith.addi %mul3A_2, %add3A_225 : i32
        %mul3A_403 = arith.constant 384 : i32
        %mul3A_404 = arith.muli %add3A_402, %mul3A_403 : i32
        %dma_wait3A_405 = tpu.memref_slice %arg5[%mul3A_404] : memref<1572864xf32, #tpu.memory_space<hbm>> -> memref<384xf32, #tpu.memory_space<hbm>>
        %dma_wait3A_406 = tpu.memref_slice %arg5[%mul3A_404] : memref<1572864xf32, #tpu.memory_space<hbm>> -> memref<384xf32, #tpu.memory_space<hbm>>
        tpu.wait_dma2 semaphore(%arg15 : memref<!tpu.dma_semaphore, #tpu.memory_space<semaphore_mem>>) src(%arg11 : memref<384xf32, #tpu.memory_space<vmem>>) dst(%dma_wait3A_406 : memref<384xf32, #tpu.memory_space<hbm>>)
      } else {
      }
      %scan3A_391 = arith.constant 0 : i32
      %scan3A_392 = arith.constant 0 : i32
      %scan3A_393 = arith.constant 24 : i32
      %scan3A_394 = arith.addi %scan3A_392, %scan3A_393 : i32
      %scan3A_395 = arith.constant 1 : i32
      scf.for %scan3A_402 = %scan3A_392 to %scan3A_394 step %scan3A_395  : i32 {
        %mul3A_403 = arith.constant 16 : i32
        %mul3A_404 = arith.muli %scan3A_402, %mul3A_403 : i32
        %multiple_of3A_405 = tpu.assume_multiple %mul3A_404, 16 : i32
        %get3A_406 = arith.constant 0 : i32
        %get3A_407 = arith.index_cast %get3A_406 : i32 to index
        %get3A_408 = arith.index_cast %multiple_of3A_405 : i32 to index
        %get3A_409 = tpu.vector_load %arg9[%get3A_407, %get3A_408] {strides = array<i32>} : memref<32x384xf32, #tpu.memory_space<vmem>>, vector<16xf32>,
        %bitcast3A = vector.bitcast %get3A_409 : vector<16xf32> to vector<32xbf16>
        %mul3A_410 = arith.mulf %pack3A_325, %bitcast3A : vector<32xbf16>
        %get3A_411 = arith.constant 1 : i32
        %get3A_412 = arith.index_cast %get3A_411 : i32 to index
        %get3A_413 = arith.index_cast %multiple_of3A_405 : i32 to index
        %get3A_414 = tpu.vector_load %arg9[%get3A_412, %get3A_413] {strides = array<i32>} : memref<32x384xf32, #tpu.memory_space<vmem>>, vector<16xf32>,
        %bitcast3A_415 = vector.bitcast %get3A_414 : vector<16xf32> to vector<32xbf16>
        %mul3A_416 = arith.mulf %pack3A_327, %bitcast3A_415 : vector<32xbf16>
        %add3A_417 = arith.addf %mul3A_410, %mul3A_416 : vector<32xbf16>
        %get3A_418 = arith.constant 2 : i32
        %get3A_419 = arith.index_cast %get3A_418 : i32 to index
        %get3A_420 = arith.index_cast %multiple_of3A_405 : i32 to index
        %get3A_421 = tpu.vector_load %arg9[%get3A_419, %get3A_420] {strides = array<i32>} : memref<32x384xf32, #tpu.memory_space<vmem>>, vector<16xf32>,
        %bitcast3A_422 = vector.bitcast %get3A_421 : vector<16xf32> to vector<32xbf16>
        %mul3A_423 = arith.mulf %pack3A_329, %bitcast3A_422 : vector<32xbf16>
        %add3A_424 = arith.addf %add3A_417, %mul3A_423 : vector<32xbf16>
        %get3A_425 = arith.constant 3 : i32
        %get3A_426 = arith.index_cast %get3A_425 : i32 to index
        %get3A_427 = arith.index_cast %multiple_of3A_405 : i32 to index
        %get3A_428 = tpu.vector_load %arg9[%get3A_426, %get3A_427] {strides = array<i32>} : memref<32x384xf32, #tpu.memory_space<vmem>>, vector<16xf32>,
        %bitcast3A_429 = vector.bitcast %get3A_428 : vector<16xf32> to vector<32xbf16>
        %mul3A_430 = arith.mulf %pack3A_331, %bitcast3A_429 : vector<32xbf16>
        %add3A_431 = arith.addf %add3A_424, %mul3A_430 : vector<32xbf16>
        %get3A_432 = arith.constant 4 : i32
        %get3A_433 = arith.index_cast %get3A_432 : i32 to index
        %get3A_434 = arith.index_cast %multiple_of3A_405 : i32 to index
        %get3A_435 = tpu.vector_load %arg9[%get3A_433, %get3A_434] {strides = array<i32>} : memref<32x384xf32, #tpu.memory_space<vmem>>, vector<16xf32>,
        %bitcast3A_436 = vector.bitcast %get3A_435 : vector<16xf32> to vector<32xbf16>
        %mul3A_437 = arith.mulf %pack3A_333, %bitcast3A_436 : vector<32xbf16>
        %add3A_438 = arith.addf %add3A_431, %mul3A_437 : vector<32xbf16>
        %get3A_439 = arith.constant 5 : i32
        %get3A_440 = arith.index_cast %get3A_439 : i32 to index
        %get3A_441 = arith.index_cast %multiple_of3A_405 : i32 to index
        %get3A_442 = tpu.vector_load %arg9[%get3A_440, %get3A_441] {strides = array<i32>} : memref<32x384xf32, #tpu.memory_space<vmem>>, vector<16xf32>,
        %bitcast3A_443 = vector.bitcast %get3A_442 : vector<16xf32> to vector<32xbf16>
        %mul3A_444 = arith.mulf %pack3A_335, %bitcast3A_443 : vector<32xbf16>
        %add3A_445 = arith.addf %add3A_438, %mul3A_444 : vector<32xbf16>
        %get3A_446 = arith.constant 6 : i32
        %get3A_447 = arith.index_cast %get3A_446 : i32 to index
        %get3A_448 = arith.index_cast %multiple_of3A_405 : i32 to index
        %get3A_449 = tpu.vector_load %arg9[%get3A_447, %get3A_448] {strides = array<i32>} : memref<32x384xf32, #tpu.memory_space<vmem>>, vector<16xf32>,
        %bitcast3A_450 = vector.bitcast %get3A_449 : vector<16xf32> to vector<32xbf16>
        %mul3A_451 = arith.mulf %pack3A_337, %bitcast3A_450 : vector<32xbf16>
        %add3A_452 = arith.addf %add3A_445, %mul3A_451 : vector<32xbf16>
        %get3A_453 = arith.constant 7 : i32
        %get3A_454 = arith.index_cast %get3A_453 : i32 to index
        %get3A_455 = arith.index_cast %multiple_of3A_405 : i32 to index
        %get3A_456 = tpu.vector_load %arg9[%get3A_454, %get3A_455] {strides = array<i32>} : memref<32x384xf32, #tpu.memory_space<vmem>>, vector<16xf32>,
        %bitcast3A_457 = vector.bitcast %get3A_456 : vector<16xf32> to vector<32xbf16>
        %mul3A_458 = arith.mulf %pack3A_339, %bitcast3A_457 : vector<32xbf16>
        %add3A_459 = arith.addf %add3A_452, %mul3A_458 : vector<32xbf16>
        %get3A_460 = arith.constant 8 : i32
        %get3A_461 = arith.index_cast %get3A_460 : i32 to index
        %get3A_462 = arith.index_cast %multiple_of3A_405 : i32 to index
        %get3A_463 = tpu.vector_load %arg9[%get3A_461, %get3A_462] {strides = array<i32>} : memref<32x384xf32, #tpu.memory_space<vmem>>, vector<16xf32>,
        %bitcast3A_464 = vector.bitcast %get3A_463 : vector<16xf32> to vector<32xbf16>
        %mul3A_465 = arith.mulf %pack3A_341, %bitcast3A_464 : vector<32xbf16>
        %add3A_466 = arith.addf %add3A_459, %mul3A_465 : vector<32xbf16>
        %get3A_467 = arith.constant 9 : i32
        %get3A_468 = arith.index_cast %get3A_467 : i32 to index
        %get3A_469 = arith.index_cast %multiple_of3A_405 : i32 to index
        %get3A_470 = tpu.vector_load %arg9[%get3A_468, %get3A_469] {strides = array<i32>} : memref<32x384xf32, #tpu.memory_space<vmem>>, vector<16xf32>,
        %bitcast3A_471 = vector.bitcast %get3A_470 : vector<16xf32> to vector<32xbf16>
        %mul3A_472 = arith.mulf %pack3A_343, %bitcast3A_471 : vector<32xbf16>
        %add3A_473 = arith.addf %add3A_466, %mul3A_472 : vector<32xbf16>
        %get3A_474 = arith.constant 10 : i32
        %get3A_475 = arith.index_cast %get3A_474 : i32 to index
        %get3A_476 = arith.index_cast %multiple_of3A_405 : i32 to index
        %get3A_477 = tpu.vector_load %arg9[%get3A_475, %get3A_476] {strides = array<i32>} : memref<32x384xf32, #tpu.memory_space<vmem>>, vector<16xf32>,
        %bitcast3A_478 = vector.bitcast %get3A_477 : vector<16xf32> to vector<32xbf16>
        %mul3A_479 = arith.mulf %pack3A_345, %bitcast3A_478 : vector<32xbf16>
        %add3A_480 = arith.addf %add3A_473, %mul3A_479 : vector<32xbf16>
        %get3A_481 = arith.constant 11 : i32
        %get3A_482 = arith.index_cast %get3A_481 : i32 to index
        %get3A_483 = arith.index_cast %multiple_of3A_405 : i32 to index
        %get3A_484 = tpu.vector_load %arg9[%get3A_482, %get3A_483] {strides = array<i32>} : memref<32x384xf32, #tpu.memory_space<vmem>>, vector<16xf32>,
        %bitcast3A_485 = vector.bitcast %get3A_484 : vector<16xf32> to vector<32xbf16>
        %mul3A_486 = arith.mulf %pack3A_347, %bitcast3A_485 : vector<32xbf16>
        %add3A_487 = arith.addf %add3A_480, %mul3A_486 : vector<32xbf16>
        %get3A_488 = arith.constant 12 : i32
        %get3A_489 = arith.index_cast %get3A_488 : i32 to index
        %get3A_490 = arith.index_cast %multiple_of3A_405 : i32 to index
        %get3A_491 = tpu.vector_load %arg9[%get3A_489, %get3A_490] {strides = array<i32>} : memref<32x384xf32, #tpu.memory_space<vmem>>, vector<16xf32>,
        %bitcast3A_492 = vector.bitcast %get3A_491 : vector<16xf32> to vector<32xbf16>
        %mul3A_493 = arith.mulf %pack3A_349, %bitcast3A_492 : vector<32xbf16>
        %add3A_494 = arith.addf %add3A_487, %mul3A_493 : vector<32xbf16>
        %get3A_495 = arith.constant 13 : i32
        %get3A_496 = arith.index_cast %get3A_495 : i32 to index
        %get3A_497 = arith.index_cast %multiple_of3A_405 : i32 to index
        %get3A_498 = tpu.vector_load %arg9[%get3A_496, %get3A_497] {strides = array<i32>} : memref<32x384xf32, #tpu.memory_space<vmem>>, vector<16xf32>,
        %bitcast3A_499 = vector.bitcast %get3A_498 : vector<16xf32> to vector<32xbf16>
        %mul3A_500 = arith.mulf %pack3A_351, %bitcast3A_499 : vector<32xbf16>
        %add3A_501 = arith.addf %add3A_494, %mul3A_500 : vector<32xbf16>
        %get3A_502 = arith.constant 14 : i32
        %get3A_503 = arith.index_cast %get3A_502 : i32 to index
        %get3A_504 = arith.index_cast %multiple_of3A_405 : i32 to index
        %get3A_505 = tpu.vector_load %arg9[%get3A_503, %get3A_504] {strides = array<i32>} : memref<32x384xf32, #tpu.memory_space<vmem>>, vector<16xf32>,
        %bitcast3A_506 = vector.bitcast %get3A_505 : vector<16xf32> to vector<32xbf16>
        %mul3A_507 = arith.mulf %pack3A_353, %bitcast3A_506 : vector<32xbf16>
        %add3A_508 = arith.addf %add3A_501, %mul3A_507 : vector<32xbf16>
        %get3A_509 = arith.constant 15 : i32
        %get3A_510 = arith.index_cast %get3A_509 : i32 to index
        %get3A_511 = arith.index_cast %multiple_of3A_405 : i32 to index
        %get3A_512 = tpu.vector_load %arg9[%get3A_510, %get3A_511] {strides = array<i32>} : memref<32x384xf32, #tpu.memory_space<vmem>>, vector<16xf32>,
        %bitcast3A_513 = vector.bitcast %get3A_512 : vector<16xf32> to vector<32xbf16>
        %mul3A_514 = arith.mulf %pack3A_355, %bitcast3A_513 : vector<32xbf16>
        %add3A_515 = arith.addf %add3A_508, %mul3A_514 : vector<32xbf16>
        %get3A_516 = arith.constant 16 : i32
        %get3A_517 = arith.index_cast %get3A_516 : i32 to index
        %get3A_518 = arith.index_cast %multiple_of3A_405 : i32 to index
        %get3A_519 = tpu.vector_load %arg9[%get3A_517, %get3A_518] {strides = array<i32>} : memref<32x384xf32, #tpu.memory_space<vmem>>, vector<16xf32>,
        %bitcast3A_520 = vector.bitcast %get3A_519 : vector<16xf32> to vector<32xbf16>
        %mul3A_521 = arith.mulf %pack3A_357, %bitcast3A_520 : vector<32xbf16>
        %add3A_522 = arith.addf %add3A_515, %mul3A_521 : vector<32xbf16>
        %get3A_523 = arith.constant 17 : i32
        %get3A_524 = arith.index_cast %get3A_523 : i32 to index
        %get3A_525 = arith.index_cast %multiple_of3A_405 : i32 to index
        %get3A_526 = tpu.vector_load %arg9[%get3A_524, %get3A_525] {strides = array<i32>} : memref<32x384xf32, #tpu.memory_space<vmem>>, vector<16xf32>,
        %bitcast3A_527 = vector.bitcast %get3A_526 : vector<16xf32> to vector<32xbf16>
        %mul3A_528 = arith.mulf %pack3A_359, %bitcast3A_527 : vector<32xbf16>
        %add3A_529 = arith.addf %add3A_522, %mul3A_528 : vector<32xbf16>
        %get3A_530 = arith.constant 18 : i32
        %get3A_531 = arith.index_cast %get3A_530 : i32 to index
        %get3A_532 = arith.index_cast %multiple_of3A_405 : i32 to index
        %get3A_533 = tpu.vector_load %arg9[%get3A_531, %get3A_532] {strides = array<i32>} : memref<32x384xf32, #tpu.memory_space<vmem>>, vector<16xf32>,
        %bitcast3A_534 = vector.bitcast %get3A_533 : vector<16xf32> to vector<32xbf16>
        %mul3A_535 = arith.mulf %pack3A_361, %bitcast3A_534 : vector<32xbf16>
        %add3A_536 = arith.addf %add3A_529, %mul3A_535 : vector<32xbf16>
        %get3A_537 = arith.constant 19 : i32
        %get3A_538 = arith.index_cast %get3A_537 : i32 to index
        %get3A_539 = arith.index_cast %multiple_of3A_405 : i32 to index
        %get3A_540 = tpu.vector_load %arg9[%get3A_538, %get3A_539] {strides = array<i32>} : memref<32x384xf32, #tpu.memory_space<vmem>>, vector<16xf32>,
        %bitcast3A_541 = vector.bitcast %get3A_540 : vector<16xf32> to vector<32xbf16>
        %mul3A_542 = arith.mulf %pack3A_363, %bitcast3A_541 : vector<32xbf16>
        %add3A_543 = arith.addf %add3A_536, %mul3A_542 : vector<32xbf16>
        %get3A_544 = arith.constant 20 : i32
        %get3A_545 = arith.index_cast %get3A_544 : i32 to index
        %get3A_546 = arith.index_cast %multiple_of3A_405 : i32 to index
        %get3A_547 = tpu.vector_load %arg9[%get3A_545, %get3A_546] {strides = array<i32>} : memref<32x384xf32, #tpu.memory_space<vmem>>, vector<16xf32>,
        %bitcast3A_548 = vector.bitcast %get3A_547 : vector<16xf32> to vector<32xbf16>
        %mul3A_549 = arith.mulf %pack3A_365, %bitcast3A_548 : vector<32xbf16>
        %add3A_550 = arith.addf %add3A_543, %mul3A_549 : vector<32xbf16>
        %get3A_551 = arith.constant 21 : i32
        %get3A_552 = arith.index_cast %get3A_551 : i32 to index
        %get3A_553 = arith.index_cast %multiple_of3A_405 : i32 to index
        %get3A_554 = tpu.vector_load %arg9[%get3A_552, %get3A_553] {strides = array<i32>} : memref<32x384xf32, #tpu.memory_space<vmem>>, vector<16xf32>,
        %bitcast3A_555 = vector.bitcast %get3A_554 : vector<16xf32> to vector<32xbf16>
        %mul3A_556 = arith.mulf %pack3A_367, %bitcast3A_555 : vector<32xbf16>
        %add3A_557 = arith.addf %add3A_550, %mul3A_556 : vector<32xbf16>
        %get3A_558 = arith.constant 22 : i32
        %get3A_559 = arith.index_cast %get3A_558 : i32 to index
        %get3A_560 = arith.index_cast %multiple_of3A_405 : i32 to index
        %get3A_561 = tpu.vector_load %arg9[%get3A_559, %get3A_560] {strides = array<i32>} : memref<32x384xf32, #tpu.memory_space<vmem>>, vector<16xf32>,
        %bitcast3A_562 = vector.bitcast %get3A_561 : vector<16xf32> to vector<32xbf16>
        %mul3A_563 = arith.mulf %pack3A_369, %bitcast3A_562 : vector<32xbf16>
        %add3A_564 = arith.addf %add3A_557, %mul3A_563 : vector<32xbf16>
        %get3A_565 = arith.constant 23 : i32
        %get3A_566 = arith.index_cast %get3A_565 : i32 to index
        %get3A_567 = arith.index_cast %multiple_of3A_405 : i32 to index
        %get3A_568 = tpu.vector_load %arg9[%get3A_566, %get3A_567] {strides = array<i32>} : memref<32x384xf32, #tpu.memory_space<vmem>>, vector<16xf32>,
        %bitcast3A_569 = vector.bitcast %get3A_568 : vector<16xf32> to vector<32xbf16>
        %mul3A_570 = arith.mulf %pack3A_371, %bitcast3A_569 : vector<32xbf16>
        %add3A_571 = arith.addf %add3A_564, %mul3A_570 : vector<32xbf16>
        %get3A_572 = arith.constant 24 : i32
        %get3A_573 = arith.index_cast %get3A_572 : i32 to index
        %get3A_574 = arith.index_cast %multiple_of3A_405 : i32 to index
        %get3A_575 = tpu.vector_load %arg9[%get3A_573, %get3A_574] {strides = array<i32>} : memref<32x384xf32, #tpu.memory_space<vmem>>, vector<16xf32>,
        %bitcast3A_576 = vector.bitcast %get3A_575 : vector<16xf32> to vector<32xbf16>
        %mul3A_577 = arith.mulf %pack3A_373, %bitcast3A_576 : vector<32xbf16>
        %add3A_578 = arith.addf %add3A_571, %mul3A_577 : vector<32xbf16>
        %get3A_579 = arith.constant 25 : i32
        %get3A_580 = arith.index_cast %get3A_579 : i32 to index
        %get3A_581 = arith.index_cast %multiple_of3A_405 : i32 to index
        %get3A_582 = tpu.vector_load %arg9[%get3A_580, %get3A_581] {strides = array<i32>} : memref<32x384xf32, #tpu.memory_space<vmem>>, vector<16xf32>,
        %bitcast3A_583 = vector.bitcast %get3A_582 : vector<16xf32> to vector<32xbf16>
        %mul3A_584 = arith.mulf %pack3A_375, %bitcast3A_583 : vector<32xbf16>
        %add3A_585 = arith.addf %add3A_578, %mul3A_584 : vector<32xbf16>
        %get3A_586 = arith.constant 26 : i32
        %get3A_587 = arith.index_cast %get3A_586 : i32 to index
        %get3A_588 = arith.index_cast %multiple_of3A_405 : i32 to index
        %get3A_589 = tpu.vector_load %arg9[%get3A_587, %get3A_588] {strides = array<i32>} : memref<32x384xf32, #tpu.memory_space<vmem>>, vector<16xf32>,
        %bitcast3A_590 = vector.bitcast %get3A_589 : vector<16xf32> to vector<32xbf16>
        %mul3A_591 = arith.mulf %pack3A_377, %bitcast3A_590 : vector<32xbf16>
        %add3A_592 = arith.addf %add3A_585, %mul3A_591 : vector<32xbf16>
        %get3A_593 = arith.constant 27 : i32
        %get3A_594 = arith.index_cast %get3A_593 : i32 to index
        %get3A_595 = arith.index_cast %multiple_of3A_405 : i32 to index
        %get3A_596 = tpu.vector_load %arg9[%get3A_594, %get3A_595] {strides = array<i32>} : memref<32x384xf32, #tpu.memory_space<vmem>>, vector<16xf32>,
        %bitcast3A_597 = vector.bitcast %get3A_596 : vector<16xf32> to vector<32xbf16>
        %mul3A_598 = arith.mulf %pack3A_379, %bitcast3A_597 : vector<32xbf16>
        %add3A_599 = arith.addf %add3A_592, %mul3A_598 : vector<32xbf16>
        %get3A_600 = arith.constant 28 : i32
        %get3A_601 = arith.index_cast %get3A_600 : i32 to index
        %get3A_602 = arith.index_cast %multiple_of3A_405 : i32 to index
        %get3A_603 = tpu.vector_load %arg9[%get3A_601, %get3A_602] {strides = array<i32>} : memref<32x384xf32, #tpu.memory_space<vmem>>, vector<16xf32>,
        %bitcast3A_604 = vector.bitcast %get3A_603 : vector<16xf32> to vector<32xbf16>
        %mul3A_605 = arith.mulf %pack3A_381, %bitcast3A_604 : vector<32xbf16>
        %add3A_606 = arith.addf %add3A_599, %mul3A_605 : vector<32xbf16>
        %get3A_607 = arith.constant 29 : i32
        %get3A_608 = arith.index_cast %get3A_607 : i32 to index
        %get3A_609 = arith.index_cast %multiple_of3A_405 : i32 to index
        %get3A_610 = tpu.vector_load %arg9[%get3A_608, %get3A_609] {strides = array<i32>} : memref<32x384xf32, #tpu.memory_space<vmem>>, vector<16xf32>,
        %bitcast3A_611 = vector.bitcast %get3A_610 : vector<16xf32> to vector<32xbf16>
        %mul3A_612 = arith.mulf %pack3A_383, %bitcast3A_611 : vector<32xbf16>
        %add3A_613 = arith.addf %add3A_606, %mul3A_612 : vector<32xbf16>
        %get3A_614 = arith.constant 30 : i32
        %get3A_615 = arith.index_cast %get3A_614 : i32 to index
        %get3A_616 = arith.index_cast %multiple_of3A_405 : i32 to index
        %get3A_617 = tpu.vector_load %arg9[%get3A_615, %get3A_616] {strides = array<i32>} : memref<32x384xf32, #tpu.memory_space<vmem>>, vector<16xf32>,
        %bitcast3A_618 = vector.bitcast %get3A_617 : vector<16xf32> to vector<32xbf16>
        %mul3A_619 = arith.mulf %pack3A_385, %bitcast3A_618 : vector<32xbf16>
        %add3A_620 = arith.addf %add3A_613, %mul3A_619 : vector<32xbf16>
        %get3A_621 = arith.constant 31 : i32
        %get3A_622 = arith.index_cast %get3A_621 : i32 to index
        %get3A_623 = arith.index_cast %multiple_of3A_405 : i32 to index
        %get3A_624 = tpu.vector_load %arg9[%get3A_622, %get3A_623] {strides = array<i32>} : memref<32x384xf32, #tpu.memory_space<vmem>>, vector<16xf32>,
        %bitcast3A_625 = vector.bitcast %get3A_624 : vector<16xf32> to vector<32xbf16>
        %mul3A_626 = arith.mulf %pack3A_387, %bitcast3A_625 : vector<32xbf16>
        %add3A_627 = arith.addf %add3A_620, %mul3A_626 : vector<32xbf16>
        %bitcast3A_628 = vector.bitcast %add3A_627 : vector<32xbf16> to vector<16xf32>
        %swap3A = arith.index_cast %multiple_of3A_405 : i32 to index
        %swap3A_629 = tpu.vector_load %arg11[%swap3A] {strides = array<i32>} : memref<384xf32, #tpu.memory_space<vmem>>, vector<16xf32>,
        tpu.vector_store %arg11[%swap3A], %bitcast3A_628 {strides = array<i32>} : memref<384xf32, #tpu.memory_space<vmem>>, vector<16xf32>,
      }
      %scan3A_396 = arith.constant 24 : i32
      %add3A_397 = arith.addi %mul3A_2, %add3A_225 : i32
      %mul3A_398 = arith.constant 384 : i32
      %mul3A_399 = arith.muli %add3A_397, %mul3A_398 : i32
      %dma_start3A_400 = tpu.memref_slice %arg5[%mul3A_399] : memref<1572864xf32, #tpu.memory_space<hbm>> -> memref<384xf32, #tpu.memory_space<hbm>>
      %dma_start3A_401 = tpu.memref_slice %arg5[%mul3A_399] : memref<1572864xf32, #tpu.memory_space<hbm>> -> memref<384xf32, #tpu.memory_space<hbm>>
      tpu.enqueue_dma source(%arg11 : memref<384xf32, #tpu.memory_space<vmem>>) target(%dma_start3A_401 : memref<384xf32, #tpu.memory_space<hbm>>) target_semaphore(%arg15 : memref<!tpu.dma_semaphore, #tpu.memory_space<semaphore_mem>>)
    }
    %scan3A_13 = arith.constant 64 : i32
    %add3A_14 = arith.constant 128 : i32
    %add3A_15 = arith.addi %mul3A_2, %add3A_14 : i32
    %sub3A = arith.constant 2 : i32
    %sub3A_16 = arith.subi %add3A_15, %sub3A : i32
    %mul3A_17 = arith.constant 384 : i32
    %mul3A_18 = arith.muli %sub3A_16, %mul3A_17 : i32
    %dma_wait3A = tpu.memref_slice %arg5[%mul3A_18] : memref<1572864xf32, #tpu.memory_space<hbm>> -> memref<384xf32, #tpu.memory_space<hbm>>
    %dma_wait3A_19 = tpu.memref_slice %arg5[%mul3A_18] : memref<1572864xf32, #tpu.memory_space<hbm>> -> memref<384xf32, #tpu.memory_space<hbm>>
    tpu.wait_dma2 semaphore(%arg14 : memref<!tpu.dma_semaphore, #tpu.memory_space<semaphore_mem>>) src(%arg10 : memref<384xf32, #tpu.memory_space<vmem>>) dst(%dma_wait3A_19 : memref<384xf32, #tpu.memory_space<hbm>>)
    %add3A_20 = arith.constant 128 : i32
    %add3A_21 = arith.addi %mul3A_2, %add3A_20 : i32
    %sub3A_22 = arith.constant 1 : i32
    %sub3A_23 = arith.subi %add3A_21, %sub3A_22 : i32
    %mul3A_24 = arith.constant 384 : i32
    %mul3A_25 = arith.muli %sub3A_23, %mul3A_24 : i32
    %dma_wait3A_26 = tpu.memref_slice %arg5[%mul3A_25] : memref<1572864xf32, #tpu.memory_space<hbm>> -> memref<384xf32, #tpu.memory_space<hbm>>
    %dma_wait3A_27 = tpu.memref_slice %arg5[%mul3A_25] : memref<1572864xf32, #tpu.memory_space<hbm>> -> memref<384xf32, #tpu.memory_space<hbm>>
    tpu.wait_dma2 semaphore(%arg15 : memref<!tpu.dma_semaphore, #tpu.memory_space<semaphore_mem>>) src(%arg11 : memref<384xf32, #tpu.memory_space<vmem>>) dst(%dma_wait3A_27 : memref<384xf32, #tpu.memory_space<hbm>>)
    return
  }
}

module attributes {stable_mosaic.version = 14 : i64} {
  func.func @_pack_body(%arg0: i32, %arg1: memref<1272x768xf32, #tpu.memory_space<vmem>>, %arg2: memref<1272x384xf32, #tpu.memory_space<vmem>>) attributes {dimension_semantics = [#tpu.dimension_semantics<arbitrary>], iteration_bounds = array<i64: 24>, scalar_prefetch = 0 : i64, scratch_operands = 0 : i64, tpu.core_type = #tpu.core_type<tc>, window_params = [{transform_indices = @transform_0, window_bounds = array<i64: 1272, 768>}, {transform_indices = @transform_1, window_bounds = array<i64: 1272, 384>}]} {
    %get3A = arith.constant 0 : index
    %get3A_0 = arith.constant 0 : index
    %get3A_1 = vector.load %arg1[%get3A, %get3A_0] : memref<1272x768xf32, #tpu.memory_space<vmem>>, vector<1272x768xf32>
    %slice3A = vector.extract_strided_slice %get3A_1 {offsets = [0, 0], sizes = [1272, 384], strides = [1, 1]} : vector<1272x768xf32> to vector<1272x384xf32>
    %convert_element_type3A = arith.truncf %slice3A : vector<1272x384xf32> to vector<1272x384xbf16>
    %slice3A_2 = vector.extract_strided_slice %get3A_1 {offsets = [0, 384], sizes = [1272, 384], strides = [1, 1]} : vector<1272x768xf32> to vector<1272x384xf32>
    %convert_element_type3A_3 = arith.truncf %slice3A_2 : vector<1272x384xf32> to vector<1272x384xbf16>
    %bitcast_convert_type3A = tpu.bitcast %convert_element_type3A : vector<1272x384xbf16> -> vector<1272x384xi16>
    %convert_element_type3A_4 = arith.extui %bitcast_convert_type3A : vector<1272x384xi16> to vector<1272x384xi32>
    %bitcast_convert_type3A_5 = tpu.bitcast %convert_element_type3A_3 : vector<1272x384xbf16> -> vector<1272x384xi16>
    %convert_element_type3A_6 = arith.extui %bitcast_convert_type3A_5 : vector<1272x384xi16> to vector<1272x384xi32>
    %shift_left3A = arith.constant 16 : i32
    %shift_left3A_7 = vector.broadcast %shift_left3A : i32 to vector<1272x384xi32>
    %shift_left3A_8 = arith.shli %convert_element_type3A_6, %shift_left3A_7 : vector<1272x384xi32>
    %or3A = arith.ori %convert_element_type3A_4, %shift_left3A_8 : vector<1272x384xi32>
    %bitcast_convert_type3A_9 = tpu.bitcast %or3A : vector<1272x384xi32> -> vector<1272x384xf32>
    %swap3A = arith.constant 0 : index
    %swap3A_10 = arith.constant 0 : index
    %swap3A_11 = vector.load %arg2[%swap3A, %swap3A_10] : memref<1272x384xf32, #tpu.memory_space<vmem>>, vector<1272x384xf32>
    tpu.vector_store %arg2[%swap3A, %swap3A_10], %bitcast_convert_type3A_9 {strides = array<i32>} : memref<1272x384xf32, #tpu.memory_space<vmem>>, vector<1272x384xf32>,
    return
  }
  func.func @transform_0(%arg0: i32) -> (i32, i32) {
    %c0_i32 = arith.constant 0 : i32
    %c0_i32_0 = arith.constant 0 : i32
    return %arg0, %c0_i32 : i32, i32
  }
  func.func @transform_1(%arg0: i32) -> (i32, i32) {
    %c0_i32 = arith.constant 0 : i32
    %c0_i32_0 = arith.constant 0 : i32
    return %arg0, %c0_i32 : i32, i32
  }
}

module attributes {stable_mosaic.version = 14 : i64} {
  func.func @_doc_body(%arg0: i32, %arg1: memref<1x16xf32, #tpu.memory_space<vmem>>, %arg2: memref<512x7680xbf16, #tpu.memory_space<vmem>>, %arg3: memref<512x768xf32, #tpu.memory_space<vmem>>) attributes {dimension_semantics = [#tpu.dimension_semantics<arbitrary>], iteration_bounds = array<i64: 8>, scalar_prefetch = 0 : i64, scratch_operands = 0 : i64, tpu.core_type = #tpu.core_type<tc>, window_params = [{pipeline_mode = #tpu.pipeline_mode<synchronous>, transform_indices = @transform_0, window_bounds = array<i64: 1, 16>}, {transform_indices = @transform_1, window_bounds = array<i64: 512, 7680>}, {transform_indices = @transform_2, window_bounds = array<i64: 512, 768>}]} {
    %get3A = arith.constant 0 : index
    %get3A_0 = arith.constant 0 : index
    %get3A_1 = vector.load %arg1[%get3A, %get3A_0] : memref<1x16xf32, #tpu.memory_space<vmem>>, vector<1x16xf32>
    %reduce_max3A = vector.shape_cast %get3A_1 : vector<1x16xf32> to vector<1x1x16xf32>
    %reduce_max3A_2 = arith.constant dense<0xFF800000> : vector<1xf32>
    %reduce_max3A_3 = vector.multi_reduction <maximumf>, %reduce_max3A, %reduce_max3A_2 [1, 2] : vector<1x1x16xf32> to vector<1xf32>
    %reduce_max3A_4 = vector.shape_cast %reduce_max3A_3 : vector<1xf32> to vector<1x1x1xf32>
    %reduce_max3A_5 = vector.extract %reduce_max3A_4[0, 0, 0] : f32 from vector<1x1x1xf32>
    %sub3A = vector.broadcast %reduce_max3A_5 : f32 to vector<1x16xf32>
    %sub3A_6 = arith.subf %get3A_1, %sub3A : vector<1x16xf32>
    %exp3A = math.exp %sub3A_6 : vector<1x16xf32>
    %reduce_sum3A = vector.shape_cast %exp3A : vector<1x16xf32> to vector<1x1x16xf32>
    %reduce_sum3A_7 = arith.constant dense<0.000000e+00> : vector<1xf32>
    %reduce_sum3A_8 = vector.multi_reduction <add>, %reduce_sum3A, %reduce_sum3A_7 [1, 2] : vector<1x1x16xf32> to vector<1xf32>
    %reduce_sum3A_9 = vector.shape_cast %reduce_sum3A_8 : vector<1xf32> to vector<1x1x1xf32>
    %reduce_sum3A_10 = vector.extract %reduce_sum3A_9[0, 0, 0] : f32 from vector<1x1x1xf32>
    %div3A = vector.broadcast %reduce_sum3A_10 : f32 to vector<1x16xf32>
    %div3A_11 = arith.divf %exp3A, %div3A : vector<1x16xf32>
    %slice3A = vector.extract_strided_slice %div3A_11 {offsets = [0, 1], sizes = [1, 1], strides = [1, 1]} : vector<1x16xf32> to vector<1x1xf32>
    %get3A_12 = arith.constant 0 : index
    %get3A_13 = arith.constant 0 : index
    %get3A_14 = vector.load %arg2[%get3A_12, %get3A_13] : memref<512x7680xbf16, #tpu.memory_space<vmem>>, vector<512x768xbf16>
    %convert_element_type3A = arith.extf %get3A_14 : vector<512x768xbf16> to vector<512x768xf32>
    %mul3A = vector.broadcast %slice3A : vector<1x1xf32> to vector<512x768xf32>
    %mul3A_15 = arith.mulf %mul3A, %convert_element_type3A : vector<512x768xf32>
    %slice3A_16 = vector.extract_strided_slice %div3A_11 {offsets = [0, 2], sizes = [1, 1], strides = [1, 1]} : vector<1x16xf32> to vector<1x1xf32>
    %get3A_17 = arith.constant 0 : index
    %get3A_18 = arith.constant 768 : index
    %get3A_19 = vector.load %arg2[%get3A_17, %get3A_18] : memref<512x7680xbf16, #tpu.memory_space<vmem>>, vector<512x768xbf16>
    %convert_element_type3A_20 = arith.extf %get3A_19 : vector<512x768xbf16> to vector<512x768xf32>
    %mul3A_21 = vector.broadcast %slice3A_16 : vector<1x1xf32> to vector<512x768xf32>
    %mul3A_22 = arith.mulf %mul3A_21, %convert_element_type3A_20 : vector<512x768xf32>
    %add3A = arith.addf %mul3A_15, %mul3A_22 : vector<512x768xf32>
    %slice3A_23 = vector.extract_strided_slice %div3A_11 {offsets = [0, 3], sizes = [1, 1], strides = [1, 1]} : vector<1x16xf32> to vector<1x1xf32>
    %get3A_24 = arith.constant 0 : index
    %get3A_25 = arith.constant 1536 : index
    %get3A_26 = vector.load %arg2[%get3A_24, %get3A_25] : memref<512x7680xbf16, #tpu.memory_space<vmem>>, vector<512x768xbf16>
    %convert_element_type3A_27 = arith.extf %get3A_26 : vector<512x768xbf16> to vector<512x768xf32>
    %mul3A_28 = vector.broadcast %slice3A_23 : vector<1x1xf32> to vector<512x768xf32>
    %mul3A_29 = arith.mulf %mul3A_28, %convert_element_type3A_27 : vector<512x768xf32>
    %add3A_30 = arith.addf %add3A, %mul3A_29 : vector<512x768xf32>
    %slice3A_31 = vector.extract_strided_slice %div3A_11 {offsets = [0, 4], sizes = [1, 1], strides = [1, 1]} : vector<1x16xf32> to vector<1x1xf32>
    %get3A_32 = arith.constant 0 : index
    %get3A_33 = arith.constant 2304 : index
    %get3A_34 = vector.load %arg2[%get3A_32, %get3A_33] : memref<512x7680xbf16, #tpu.memory_space<vmem>>, vector<512x768xbf16>
    %convert_element_type3A_35 = arith.extf %get3A_34 : vector<512x768xbf16> to vector<512x768xf32>
    %mul3A_36 = vector.broadcast %slice3A_31 : vector<1x1xf32> to vector<512x768xf32>
    %mul3A_37 = arith.mulf %mul3A_36, %convert_element_type3A_35 : vector<512x768xf32>
    %add3A_38 = arith.addf %add3A_30, %mul3A_37 : vector<512x768xf32>
    %slice3A_39 = vector.extract_strided_slice %div3A_11 {offsets = [0, 5], sizes = [1, 1], strides = [1, 1]} : vector<1x16xf32> to vector<1x1xf32>
    %get3A_40 = arith.constant 0 : index
    %get3A_41 = arith.constant 3072 : index
    %get3A_42 = vector.load %arg2[%get3A_40, %get3A_41] : memref<512x7680xbf16, #tpu.memory_space<vmem>>, vector<512x768xbf16>
    %convert_element_type3A_43 = arith.extf %get3A_42 : vector<512x768xbf16> to vector<512x768xf32>
    %mul3A_44 = vector.broadcast %slice3A_39 : vector<1x1xf32> to vector<512x768xf32>
    %mul3A_45 = arith.mulf %mul3A_44, %convert_element_type3A_43 : vector<512x768xf32>
    %add3A_46 = arith.addf %add3A_38, %mul3A_45 : vector<512x768xf32>
    %slice3A_47 = vector.extract_strided_slice %div3A_11 {offsets = [0, 6], sizes = [1, 1], strides = [1, 1]} : vector<1x16xf32> to vector<1x1xf32>
    %get3A_48 = arith.constant 0 : index
    %get3A_49 = arith.constant 3840 : index
    %get3A_50 = vector.load %arg2[%get3A_48, %get3A_49] : memref<512x7680xbf16, #tpu.memory_space<vmem>>, vector<512x768xbf16>
    %convert_element_type3A_51 = arith.extf %get3A_50 : vector<512x768xbf16> to vector<512x768xf32>
    %mul3A_52 = vector.broadcast %slice3A_47 : vector<1x1xf32> to vector<512x768xf32>
    %mul3A_53 = arith.mulf %mul3A_52, %convert_element_type3A_51 : vector<512x768xf32>
    %add3A_54 = arith.addf %add3A_46, %mul3A_53 : vector<512x768xf32>
    %slice3A_55 = vector.extract_strided_slice %div3A_11 {offsets = [0, 7], sizes = [1, 1], strides = [1, 1]} : vector<1x16xf32> to vector<1x1xf32>
    %get3A_56 = arith.constant 0 : index
    %get3A_57 = arith.constant 4608 : index
    %get3A_58 = vector.load %arg2[%get3A_56, %get3A_57] : memref<512x7680xbf16, #tpu.memory_space<vmem>>, vector<512x768xbf16>
    %convert_element_type3A_59 = arith.extf %get3A_58 : vector<512x768xbf16> to vector<512x768xf32>
    %mul3A_60 = vector.broadcast %slice3A_55 : vector<1x1xf32> to vector<512x768xf32>
    %mul3A_61 = arith.mulf %mul3A_60, %convert_element_type3A_59 : vector<512x768xf32>
    %add3A_62 = arith.addf %add3A_54, %mul3A_61 : vector<512x768xf32>
    %slice3A_63 = vector.extract_strided_slice %div3A_11 {offsets = [0, 8], sizes = [1, 1], strides = [1, 1]} : vector<1x16xf32> to vector<1x1xf32>
    %get3A_64 = arith.constant 0 : index
    %get3A_65 = arith.constant 5376 : index
    %get3A_66 = vector.load %arg2[%get3A_64, %get3A_65] : memref<512x7680xbf16, #tpu.memory_space<vmem>>, vector<512x768xbf16>
    %convert_element_type3A_67 = arith.extf %get3A_66 : vector<512x768xbf16> to vector<512x768xf32>
    %mul3A_68 = vector.broadcast %slice3A_63 : vector<1x1xf32> to vector<512x768xf32>
    %mul3A_69 = arith.mulf %mul3A_68, %convert_element_type3A_67 : vector<512x768xf32>
    %add3A_70 = arith.addf %add3A_62, %mul3A_69 : vector<512x768xf32>
    %slice3A_71 = vector.extract_strided_slice %div3A_11 {offsets = [0, 9], sizes = [1, 1], strides = [1, 1]} : vector<1x16xf32> to vector<1x1xf32>
    %get3A_72 = arith.constant 0 : index
    %get3A_73 = arith.constant 6144 : index
    %get3A_74 = vector.load %arg2[%get3A_72, %get3A_73] : memref<512x7680xbf16, #tpu.memory_space<vmem>>, vector<512x768xbf16>
    %convert_element_type3A_75 = arith.extf %get3A_74 : vector<512x768xbf16> to vector<512x768xf32>
    %mul3A_76 = vector.broadcast %slice3A_71 : vector<1x1xf32> to vector<512x768xf32>
    %mul3A_77 = arith.mulf %mul3A_76, %convert_element_type3A_75 : vector<512x768xf32>
    %add3A_78 = arith.addf %add3A_70, %mul3A_77 : vector<512x768xf32>
    %slice3A_79 = vector.extract_strided_slice %div3A_11 {offsets = [0, 10], sizes = [1, 1], strides = [1, 1]} : vector<1x16xf32> to vector<1x1xf32>
    %get3A_80 = arith.constant 0 : index
    %get3A_81 = arith.constant 6912 : index
    %get3A_82 = vector.load %arg2[%get3A_80, %get3A_81] : memref<512x7680xbf16, #tpu.memory_space<vmem>>, vector<512x768xbf16>
    %convert_element_type3A_83 = arith.extf %get3A_82 : vector<512x768xbf16> to vector<512x768xf32>
    %mul3A_84 = vector.broadcast %slice3A_79 : vector<1x1xf32> to vector<512x768xf32>
    %mul3A_85 = arith.mulf %mul3A_84, %convert_element_type3A_83 : vector<512x768xf32>
    %add3A_86 = arith.addf %add3A_78, %mul3A_85 : vector<512x768xf32>
    %swap3A = arith.constant 0 : index
    %swap3A_87 = arith.constant 0 : index
    %swap3A_88 = vector.load %arg3[%swap3A, %swap3A_87] : memref<512x768xf32, #tpu.memory_space<vmem>>, vector<512x768xf32>
    tpu.vector_store %arg3[%swap3A, %swap3A_87], %add3A_86 {strides = array<i32>} : memref<512x768xf32, #tpu.memory_space<vmem>>, vector<512x768xf32>,
    return
  }
  func.func @transform_0(%arg0: i32) -> (i32, i32) {
    %c0_i32 = arith.constant 0 : i32
    %c0_i32_0 = arith.constant 0 : i32
    %c0_i32_1 = arith.constant 0 : i32
    return %c0_i32, %c0_i32_0 : i32, i32
  }
  func.func @transform_1(%arg0: i32) -> (i32, i32) {
    %c0_i32 = arith.constant 0 : i32
    %c0_i32_0 = arith.constant 0 : i32
    return %arg0, %c0_i32 : i32, i32
  }
  func.func @transform_2(%arg0: i32) -> (i32, i32) {
    %c0_i32 = arith.constant 0 : i32
    %c0_i32_0 = arith.constant 0 : i32
    return %arg0, %c0_i32 : i32, i32
  }
}

module attributes {stable_mosaic.version = 14 : i64} {
  func.func @_combine_body(%arg0: i32, %arg1: memref<1x16xf32, #tpu.memory_space<vmem>>, %arg2: memref<256x384xf32, #tpu.memory_space<vmem>>, %arg3: memref<256x768xf32, #tpu.memory_space<vmem>>, %arg4: memref<256x768xf32, #tpu.memory_space<vmem>>) attributes {dimension_semantics = [#tpu.dimension_semantics<arbitrary>], iteration_bounds = array<i64: 16>, scalar_prefetch = 0 : i64, scratch_operands = 0 : i64, tpu.core_type = #tpu.core_type<tc>, window_params = [{pipeline_mode = #tpu.pipeline_mode<synchronous>, transform_indices = @transform_0, window_bounds = array<i64: 1, 16>}, {transform_indices = @transform_1, window_bounds = array<i64: 256, 384>}, {transform_indices = @transform_2, window_bounds = array<i64: 256, 768>}, {transform_indices = @transform_3, window_bounds = array<i64: 256, 768>}]} {
    %get3A = arith.constant 0 : index
    %get3A_0 = arith.constant 0 : index
    %get3A_1 = vector.load %arg1[%get3A, %get3A_0] : memref<1x16xf32, #tpu.memory_space<vmem>>, vector<1x16xf32>
    %reduce_max3A = vector.shape_cast %get3A_1 : vector<1x16xf32> to vector<1x1x16xf32>
    %reduce_max3A_2 = arith.constant dense<0xFF800000> : vector<1xf32>
    %reduce_max3A_3 = vector.multi_reduction <maximumf>, %reduce_max3A, %reduce_max3A_2 [1, 2] : vector<1x1x16xf32> to vector<1xf32>
    %reduce_max3A_4 = vector.shape_cast %reduce_max3A_3 : vector<1xf32> to vector<1x1x1xf32>
    %reduce_max3A_5 = vector.extract %reduce_max3A_4[0, 0, 0] : f32 from vector<1x1x1xf32>
    %sub3A = vector.broadcast %reduce_max3A_5 : f32 to vector<1x16xf32>
    %sub3A_6 = arith.subf %get3A_1, %sub3A : vector<1x16xf32>
    %exp3A = math.exp %sub3A_6 : vector<1x16xf32>
    %reduce_sum3A = vector.shape_cast %exp3A : vector<1x16xf32> to vector<1x1x16xf32>
    %reduce_sum3A_7 = arith.constant dense<0.000000e+00> : vector<1xf32>
    %reduce_sum3A_8 = vector.multi_reduction <add>, %reduce_sum3A, %reduce_sum3A_7 [1, 2] : vector<1x1x16xf32> to vector<1xf32>
    %reduce_sum3A_9 = vector.shape_cast %reduce_sum3A_8 : vector<1xf32> to vector<1x1x1xf32>
    %reduce_sum3A_10 = vector.extract %reduce_sum3A_9[0, 0, 0] : f32 from vector<1x1x1xf32>
    %div3A = vector.broadcast %reduce_sum3A_10 : f32 to vector<1x16xf32>
    %div3A_11 = arith.divf %exp3A, %div3A : vector<1x16xf32>
    %get3A_12 = arith.constant 0 : index
    %get3A_13 = arith.constant 0 : index
    %get3A_14 = vector.load %arg2[%get3A_12, %get3A_13] : memref<256x384xf32, #tpu.memory_space<vmem>>, vector<256x384xf32>
    %bitcast_convert_type3A = tpu.bitcast %get3A_14 : vector<256x384xf32> -> vector<256x384xi32>
    %shift_left3A = arith.constant 16 : i32
    %shift_left3A_15 = vector.broadcast %shift_left3A : i32 to vector<256x384xi32>
    %shift_left3A_16 = arith.shli %bitcast_convert_type3A, %shift_left3A_15 : vector<256x384xi32>
    %bitcast_convert_type3A_17 = tpu.bitcast %shift_left3A_16 : vector<256x384xi32> -> vector<256x384xf32>
    %and3A = arith.constant -65536 : i32
    %and3A_18 = vector.broadcast %and3A : i32 to vector<256x384xi32>
    %and3A_19 = arith.andi %bitcast_convert_type3A, %and3A_18 : vector<256x384xi32>
    %bitcast_convert_type3A_20 = tpu.bitcast %and3A_19 : vector<256x384xi32> -> vector<256x384xf32>
    %concatenate3A = tpu.concatenate %bitcast_convert_type3A_17, %bitcast_convert_type3A_20 in 1 : vector<256x384xf32>, vector<256x384xf32> -> vector<256x768xf32>
    %slice3A = vector.extract_strided_slice %div3A_11 {offsets = [0, 0], sizes = [1, 1], strides = [1, 1]} : vector<1x16xf32> to vector<1x1xf32>
    %mul3A = vector.broadcast %slice3A : vector<1x1xf32> to vector<256x768xf32>
    %mul3A_21 = arith.mulf %mul3A, %concatenate3A : vector<256x768xf32>
    %get3A_22 = arith.constant 0 : index
    %get3A_23 = arith.constant 0 : index
    %get3A_24 = vector.load %arg3[%get3A_22, %get3A_23] : memref<256x768xf32, #tpu.memory_space<vmem>>, vector<256x768xf32>
    %add3A = arith.addf %mul3A_21, %get3A_24 : vector<256x768xf32>
    %swap3A = arith.constant 0 : index
    %swap3A_25 = arith.constant 0 : index
    %swap3A_26 = vector.load %arg4[%swap3A, %swap3A_25] : memref<256x768xf32, #tpu.memory_space<vmem>>, vector<256x768xf32>
    tpu.vector_store %arg4[%swap3A, %swap3A_25], %add3A {strides = array<i32>} : memref<256x768xf32, #tpu.memory_space<vmem>>, vector<256x768xf32>,
    return
  }
  func.func @transform_0(%arg0: i32) -> (i32, i32) {
    %c0_i32 = arith.constant 0 : i32
    %c0_i32_0 = arith.constant 0 : i32
    %c0_i32_1 = arith.constant 0 : i32
    return %c0_i32, %c0_i32_0 : i32, i32
  }
  func.func @transform_1(%arg0: i32) -> (i32, i32) {
    %c0_i32 = arith.constant 0 : i32
    %c0_i32_0 = arith.constant 0 : i32
    return %arg0, %c0_i32 : i32, i32
  }
  func.func @transform_2(%arg0: i32) -> (i32, i32) {
    %c0_i32 = arith.constant 0 : i32
    %c0_i32_0 = arith.constant 0 : i32
    return %arg0, %c0_i32 : i32, i32
  }
  func.func @transform_3(%arg0: i32) -> (i32, i32) {
    %c0_i32 = arith.constant 0 : i32
    %c0_i32_0 = arith.constant 0 : i32
    return %arg0, %c0_i32 : i32, i32
  }
}

</mosaic_0001>

<sc_bundles>
// kernel: _run.6.cloned.1.call-start
scs
__scs_entry_jumppad:
0x0: {  	(pc) =	sbr.rel $0x88, $3  }
0x1: {  	(tag) =	ssettag $0x0;
	lr =	simm.s32 $0x1  }
0x2: {  	[smem:$0x3F9C] =	sst lr;
	_ =	strace $0xD0000000  }
0x3: {  	_ = 	snop  }
0x4: {  	_ = 	snop  }
0x5: {  	_ = 	snop  }
0x6: {  	_ = 	snop  }
0x7: {  	_ = 	snop  }
__scs_overlays_trampoline_lowered:
0x8: {  	[smem:$0x3FAB] =	sst s0  }
0x9: {  	[smem:$0x3FAC] =	sst s1  }
0xa: {  	[smem:$0x3FAD] =	sst s2  }
0xb: {  	[smem:$0x3FAE] =	sst s3  }
0xc: {  	[smem:$0x3FAF] =	sst s4  }
0xd: {  	[smem:$0x3FB0] =	sst s5  }
0xe: {  	[smem:$0x3FB1] =	sst s6  }
0xf: {  	[smem:$0x3FB2] =	sst s7  }
0x10: {  	[smem:$0x3FB3] =	sst s8  }
0x11: {  	[smem:$0x3FB4] =	sst s9;
	s0 =	simm.s32 @!p0 $0x0  }
0x12: {  	s1 =	sld [smem:$0x3F9A];
	s0 =	simm.s32 @p0 $0x1  }
0x13: {  	[smem:$0x3FB5] =	sst s0;
	s0 =	simm.s32 @!p1 $0x0  }
0x14: {  	s2 =	sld [smem:$0x3F99];
	s0 =	simm.s32 @p1 $0x1  }
0x15: {  	[smem:$0x3FB6] =	sst s0;
	s0 =	simm.s32 @!p2 $0x0  }
0x16: {  	s3 =	sld [smem:$0x3FDB];
	s0 =	simm.s32 @p2 $0x1  }
0x17: {  	s4 =	simm.s32 $0x1BF5;
	[smem:$0x3FB8] =	sst s0  }
0x18: {  	s0 =	sld [smem:$0x3F9B];
	_ =	swait.ge [sflag:s4], $0x0  }
0x19: {  	s7 =	sld [smem:$0x3F9C]  }
0x1a: {  	s8 =	sadd.s32 $0xFFFFE003, lr  }
0x1b: {  	s9 =	sadd.s32 $0xFFFFFEF7, lr;
	s5 =	simm.s32 $0xFFFFFFFF;
	p2 =	slt.u32 s8, $0xFFFFF086  }
0x1c: {  	p1 =	slt.u32 s9, $0xF7A;
	s5 =	simm.s32 @!p2 $0x0  }
0x1d: {  	s5 =	simm.s32 @p1 $0x1;
	p0 =	seq.s32 s7, s2  }
0x1e: {  	s7 =	smul.u32 @!p0 $0xF7A, s2;
	p2 =	seq.s32 @!p0 s5, $0x0  }
0x1f: {  	s9 =	smul.u32 $0xF7A, s1;
	s8 =	simm.s32 @!p0 $0x1BF5;
	p2 =	por !p2, p0  }
0x20: {  	[sflag:s8] =	ssyncset.s32 @!p0 $0xFFFFF086;
	s6 =	sadd.s32 @!p0 s3, s7;
	s7 =	simm.s32 @!p0 $0x108  }
0x21: {  	s3 =	sadd.s32 s3, s9;
	s6 =	sadd.s32 @!p0 $0x88, s6;
	s7 =	simm.s32 @p2 $0x1082  }
0x22: {  	[simem:s7], [sflag:s8] =	dma.local @!p0 [hbm:s6], $0xF7A  }
0x23: {  	s9 =	sor.u32 $0xD0000000, s2;
	s6 =	simm.s32 $0x108;
	_ =	swait.ge @!p0 [sflag:s8], $0x0  }
0x24: {  	s3 =	sadd.s32 $0x88, s3;
	s6 =	simm.s32 @!p1 $0x1082;
	[sflag:s4] =	ssyncset.s32 $0xFFFFF086  }
0x25: {  	[simem:s6], [sflag:s4] =	dma.local [hbm:s3], $0xF7A  }
0x26: {  	[smem:$0x3F9C] =	sst s1;
	(tag) =	ssettag s2;
	_ =	strace s9  }
0x27: {  	s1 =	sld [smem:$0x3FAC]  }
0x28: {  	s2 =	sld [smem:$0x3FAD]  }
0x29: {  	s4 =	sld [smem:$0x3FAF]  }
0x2a: {  	p0 =	seq.s32 s5, $0x0;
	s5 =	sld [smem:$0x3FB0]  }
0x2b: {  	s6 =	sld [smem:$0x3FB1]  }
0x2c: {  	s7 =	sld [smem:$0x3FB2]  }
0x2d: {  	s3 =	simm.s32 $0x108;
	s8 =	sld [smem:$0x3FB3]  }
0x2e: {  	s3 =	simm.s32 @!p0 $0x1082;
	s9 =	sld [smem:$0x3FB4]  }
0x2f: {  	lr =	sadd.s32 s0, s3;
	s0 =	sld [smem:$0x3FAB]  }
0x30: {  	s3 =	sld [smem:$0x3FAE]  }
0x31: {  	[smem:$0x3FB7] =	sst s10  }
0x32: {  	s10 =	sld [smem:$0x3FB5];
	_ =	sdelay $0x3  }
0x33: {  	p0 =	seq.s32 s10, $0x1;
	s10 =	sld [smem:$0x3FB7];
	_ =	sdelay $0x3  }
0x34: {  	[smem:$0x3FB7] =	sst s10  }
0x35: {  	s10 =	sld [smem:$0x3FB6];
	_ =	sdelay $0x3  }
0x36: {  	p1 =	seq.s32 s10, $0x1;
	s10 =	sld [smem:$0x3FB7];
	_ =	sdelay $0x3  }
0x37: {  	[smem:$0x3FB7] =	sst s10  }
0x38: {  	s10 =	sld [smem:$0x3FB8]  }
0x39: {  	_ = 	snop;
	(pc) =	sbr.ind lr, $3  }
0x3a: {  	_ = 	snop  }
0x3b: {  	_ = 	snop  }
0x3c: {  	p2 =	seq.s32 s10, $0x1;
	s10 =	sld [smem:$0x3FB7]  }
0x3d: {  	_ =	shalt  }
0x3e: {  	_ =	shalt  }
0x3f: {  	_ =	shalt  }
0x40: {  	_ =	shalt  }
0x41: {  	_ =	shalt  }
0x42: {  	_ =	shalt  }
0x43: {  	_ =	shalt  }
0x44: {  	_ =	shalt  }
0x45: {  	_ =	shalt  }
0x46: {  	_ =	shalt  }
0x47: {  	_ =	shalt  }
0x48: {  	_ =	shalt  }
0x49: {  	_ =	shalt  }
0x4a: {  	_ =	shalt  }
0x4b: {  	_ =	shalt  }
0x4c: {  	_ =	shalt  }
0x4d: {  	_ =	shalt  }
0x4e: {  	_ =	shalt  }
0x4f: {  	_ =	shalt  }
0x50: {  	_ =	shalt  }
0x51: {  	_ =	shalt  }
0x52: {  	_ =	shalt  }
0x53: {  	_ =	shalt  }
0x54: {  	_ =	shalt  }
0x55: {  	_ =	shalt  }
0x56: {  	_ =	shalt  }
0x57: {  	_ =	shalt  }
0x58: {  	_ =	shalt  }
0x59: {  	_ =	shalt  }
0x5a: {  	_ =	shalt  }
0x5b: {  	_ =	shalt  }
0x5c: {  	_ =	shalt  }
0x5d: {  	_ =	shalt  }
0x5e: {  	_ =	shalt  }
0x5f: {  	_ =	shalt  }
0x60: {  	_ =	shalt  }
0x61: {  	_ =	shalt  }
0x62: {  	_ =	shalt  }
0x63: {  	_ =	shalt  }
0x64: {  	_ =	shalt  }
0x65: {  	_ =	shalt  }
0x66: {  	_ =	shalt  }
0x67: {  	_ =	shalt  }
0x68: {  	_ =	shalt  }
0x69: {  	_ =	shalt  }
0x6a: {  	_ =	shalt  }
0x6b: {  	_ =	shalt  }
0x6c: {  	_ =	shalt  }
0x6d: {  	_ =	shalt  }
0x6e: {  	_ =	shalt  }
0x6f: {  	_ =	shalt  }
0x70: {  	_ =	shalt  }
0x71: {  	_ =	shalt  }
0x72: {  	_ =	shalt  }
0x73: {  	_ =	shalt  }
0x74: {  	_ =	shalt  }
0x75: {  	_ =	shalt  }
0x76: {  	_ =	shalt  }
0x77: {  	_ =	shalt  }
0x78: {  	_ =	shalt  }
0x79: {  	_ =	shalt  }
0x7a: {  	_ =	shalt  }
0x7b: {  	_ =	shalt  }
0x7c: {  	_ =	shalt  }
0x7d: {  	_ =	shalt  }
0x7e: {  	_ =	shalt  }
0x7f: {  	_ =	shalt  }
0x80: {  	_ =	shalt  }
0x81: {  	_ =	shalt  }
0x82: {  	_ =	shalt  }
0x83: {  	_ =	shalt  }
0x84: {  	_ =	shalt  }
0x85: {  	_ =	shalt  }
0x86: {  	_ =	shalt  }
0x87: {  	_ =	shalt  }
.Lfunc_end0:
.L_simem_size_0:
called_computation_lowered:
.L_overlay_start_0:
0x88: {  	s2 =	sld [smem:$0x3FD9]  }
0x89: {  	s3 =	sld [smem:$0x3FFE];
	_ =	sdelay $0x1  }
0x8a: {  	s1 =	srdreg.scid  }
0x8b: {  	s0 =	sand.u32 $0x1, s1  }
0x8c: {  	s17 =	sshll.u32 s0, $0xA;
	s2 =	sadd.s32 s3, s2  }
0x8d: {  	s2 =	sadd.s32 s2, s17  }
0x8e: {  	[smem:$0x3FC3] =	sst s2  }
0x8f: {  	_ = 	snop  }
0x90: {  	s2 =	sld [smem:$0x3FC9]  }
0x91: {  	s18 =	sld [smem:$0x3FC6]  }
0x92: {  	s4 =	sld [smem:$0x3FD0];
	(tm) =	ssettm $0x1  }
0x93: {  	s5 =	sld [smem:$0x3FFB];
	_ =	sdelay $0x3  }
0x94: {  	_ =	strace s5  }
0x95: {  	s5 =	sld [smem:$0x3FFC];
	_ =	sdelay $0x3  }
0x96: {  	_ =	strace s5  }
0x97: {  	s5 =	sld [smem:$0x3FFD];
	_ =	sdelay $0x3  }
0x98: {  	_ =	strace s5  }
0x99: {  	_ =	strace $0x8FFFFFFF  }
0x9a: {  	s19 =	sld [smem:$0x3FDB];
	_ =	sdelay $0x1  }
0x9b: {  	s6 =	simm.s32 $_scs_section_size  }
0x9c: {  	s7 =	simm.s32 $_size__tile_overlayer_lowered;
	s8 =	simm.s32 $_tile_overlayer_lowered  }
0x9d: {  	s22 =	simm.s32 $0x1BFF;
	s21 =	sshll.u32 s8, $0x1;
	s5 =	sadd.s32 s6, s19  }
0x9e: {  	s9 =	simm.s32 $0x0;
	s20 =	sshll.u32 s7, $0x1;
	s7 =	sadd.s32 s21, s5  }
0x9f: {  	[timem:s9], [sflag:s22] =	dma.local [hbm:s7], s20  }
0xa0: {  	_ =	swait.ge [sflag:s22], s20  }
0xa1: {  	s6 =	ssub.s32 $0x0, s20;
	[sflag:s22] =	ssyncset.done $0x0  }
0xa2: {  	[sflag:s22] =	ssyncadd.s32 s6;
	_ =	sdelay $0x1  }
0xa3: {  	s23 =	simm.s32 $0x1B8B  }
0xa4: {  	_ =	swait.ge [sflag:s23], $0x1  }
0xa5: {  	[sflag:s23] =	ssyncset.done $0x0  }
0xa6: {  	s25 =	simm.s32 $0x1B8E;
	s24 =	sld [smem:$0x3FFE];
	[sflag:s23] =	ssyncadd.s32 $0xFFFFFFFF  }
0xa7: {  	s26 =	simm.s32 $execute0_lowered;
	[smem:$0x3FD2] =	sst s25  }
0xa8: {  	s7 =	sshll.u32 s26, $0x1;
	_ =	strace $0x80000046;
	[dreg:$0x1] =	wrdreg $0xFFFFFFFF  }
0xa9: {  	s28 =	simm.s32 $_size_execute0_lowered;
	s5 =	sadd.s32 s5, s7;
	[dreg:$0x0] =	wrdreg $0x0  }
0xaa: {  	s7 =	sshll.u32 s28, $0x1;
	[dreg:$0x2] =	wrdreg s5  }
0xab: {  	[dreg:$0x3] =	wrdreg s7  }
0xac: {  	[dreg:$0x4] =	wrdreg $0xC0  }
0xad: {  	_ =	task [dreg:s9], $0x5FFFF  }
0xae: {  	[dreg:$0x1] =	wrdreg $0xFFFFFFFF  }
0xaf: {  	[dreg:$0x0] =	wrdreg $0x60  }
0xb0: {  	[dreg:$0x2] =	wrdreg s2  }
0xb1: {  	[dreg:$0x3] =	wrdreg s24  }
0xb2: {  	[dreg:$0x4] =	wrdreg s18  }
0xb3: {  	[dreg:$0x5] =	wrdreg s4  }
0xb4: {  	[dreg:$0x6] =	wrdreg $0x9  }
0xb5: {  	_ =	task.clear_ibuf [dreg:s9], $0x7FFFF;
	_ =	strace $0x90000046  }
0xb6: {  	s29 =	simm.s32 $0x9;
	_ =	strace $0x80000048  }
0xb7: {  	_ =	swait.ge [sflag:s29], $0x1  }
0xb8: {  	[sflag:s29] =	ssyncadd.s32 $0xFFFFFFFF  }
0xb9: {  	_ =	strace $0x90000048  }
0xba: {  	_ =	sfence  }
0xbb: {  	s30 =	sld [smem:$0x0];
	_ =	sdelay $0x2  }
0xbc: {  	s31 =	sshll.u32 s1, $0xD;
	s1 =	sshrl.u32 s1, $0x2  }
0xbd: {  	s3 =	sand.u32 $0x4000, s31;
	s1 =	sadd.s32 s1, s30  }
0xbe: {  	s0 =	sor.u32 s3, s0;
	s1 =	sshll.u32 s1, $0x11  }
0xbf: {  	s0 =	sor.u32 s1, s0  }
0xc0: {  	s0 =	sadd.s32 $0x8F2B, s0  }
0xc1: {  	[sflag:s0] =	ssyncadd.remote.s32 $0x1  }
0xc2: {  	_ =	sfence.sel $0xFFFF  }
0xc3: {  	[dreg:$0x0] =	wrdreg $0xFFFFFFFF;
	(pc) =	sbr.abs _section_cstart, $3  }
0xc4: {  	[dreg:$0x1] =	wrdreg $0xFFFFFFFF  }
0xc5: {  	_ =	task.clear_ibuf [dreg:s9], $0x2FFFF;
	_ =	strace $0x9FFFFFFF  }
0xc6: {  	(tm) =	ssettm $0x7FFFFFFF  }
0xc7: {  	_ =	shalt  }
tec
execute0_lowered:
.L_overlay_start_1:
0x0: {  	(tag) =	ssettag $0x1  }
0x1: {  	s0 =	rddreg [dreg:$0x0]  }
0x2: {  	s1 =	rddreg [dreg:$0x1]  }
0x3: {  	s3 =	rddreg [dreg:$0x3];
	s4 =	simm.s32 $0x0;
	s2 =	srdreg.scid  }
0x4: {  	s5 =	stileid.u32;
	s10 =	simm.s32 $0x5;
	s20 =	simm.s32 $0xB780  }
0x5: {  	s21 =	simm.s32 $0xBF80;
	s22 =	simm.s32 $0xC380;
	s23 =	simm.s32 $0xCB80  }
0x6: {  	s24 =	simm.s32 $0xCF80;
	s25 =	simm.s32 $0xD780;
	s28 =	simm.s32 $0xE380  }
0x7: {  	s29 =	simm.s32 $0x1;
	s30 =	simm.s32 $0xE780;
	s31 =	simm.s32 $0x2  }
0x8: {  	s11 =	simm.s32 $0x0;
	[smem:$0x7FF] =	sst s4;
	s2 =	sand.u32 $0x1, s2  }
0x9: {  	s5 =	sshll.u32 s5, $0x1;
	_ =	strace $0x80000047;
	s6 =	ssub.s32 $0x2, s2  }
0xa: {  	s2 =	sor.u32 s2, s5;
	s5 =	sadd.s32 $0x600, s1;
	s7 =	sshrl.u32 s6, $0x1  }
0xb: {  	s8 =	sshll.u32 s2, $0x9;
	s7 =	ssub.s32 s6, s7;
	s6 =	sshll.u32 s2, $0x7  }
0xc: {  	v2 =	vlaneseq.u32;
	s0 =	sadd.s32 s0, s8;
	s8 =	sadd.s32 $0x700, s1;
	s2 =	simm.s32 $0x3  }
0xd: {  	vm0 =	vmmov $0xffff;
	vm1 =	vmmov $0xff;
	v1 =	vshrl.u32 v2, $0x3;
	s1 =	simm.s32 $0x4;
	[dreg:$0x5] =	wrdreg s0;
	s26 =	smax.u32 s7, $0x1  }
0xe: {  	v0 =	vand.u32 $0x7, v2;
	v2 =	vor.u32 $0x8, v2;
	v1 =	vmul.u32 $0x8, v1;
	s0 =	simm.s32 $0xE900;
	[dreg:$0x6] =	wrdreg s26;
	s26 =	simm.s32 $0xDB80  }
.LBB2_1:
0xf: {  	s7 =	rddreg [dreg:$0x2]  }
0x10: {  	[tilespmem:s4], [sflag:$0x5] =	stream.linear.gather [hbm4b:s7+s4], $0x7780, $0x38;
	[tilespmem:$0xEA80] =	vst v63  }
0x11: {  	_ =	swait.ge [sflag:s10], $0x7780  }
0x12: {  	[sflag:s10] =	ssyncset.done $0x0  }
0x13: {  	s9 =	simm.s32 $0x7780;
	s19 =	rddreg [dreg:$0x5];
	[sflag:s10] =	ssyncadd.s32 $0xFFFF8880  }
0x14: {  	[tilespmem:s9], [sflag:$0x5] =	stream.linear.gather [hbm4b:s19+s4], $0x1000, $0x38;
	[tilespmem:$0xEA80] =	vst v63  }
0x15: {  	_ =	swait.ge [sflag:s10], $0x1000  }
0x16: {  	[sflag:s10] =	ssyncset.done $0x0  }
0x17: {  	[sflag:s10] =	ssyncadd.s32 $0xFFFFF000  }
0x18: {  	v3 =	vld [tilespmem:$0x7780];
	_ =	sdelay $0x4  }
0x19: {  	v4 =	vshrl.u32 v3, $0x3  }
0x1a: {  	v4 =	vmul.u32 $0x18, v4  }
0x1b: {  	v3 =	vand.u32 $0x7, v3  }
0x1c: {  	v3 =	vor.u32 v3, v4  }
0x1d: {  	v4 =	vperm.xlane v3, v0;
	_ =	sdelay $0x1  }
0x1e: {  	v4 =	vadd.s32 v1, v4;
	_ =	sdelay $0x1  }
0x1f: {  	v3 =	vperm.xlane v3, v2;
	_ =	sdelay $0x1  }
0x20: {  	s12 =	simm.s32 $0x8780;
	v3 =	vadd.s32 v1, v3  }
0x21: {  	[tilespmem:s12], [sflag:$0x1] =	stream.indirect_vreg.gather [hbm4b:s5+s4], $0x80, v4, vm0, $0xb8;
	[tilespmem:$0xEA80] =	vst v63  }
0x22: {  	s13 =	simm.s32 $0x8F80  }
0x23: {  	[tilespmem:s13], [sflag:$0x1] =	stream.indirect_vreg.gather [hbm4b:s8+s4], $0x80, v4, vm1, $0xb8;
	[tilespmem:$0xEA80] =	vst v63  }
0x24: {  	s14 =	simm.s32 $0x9380  }
0x25: {  	[tilespmem:s14], [sflag:$0x1] =	stream.indirect_vreg.gather [hbm4b:s5+s4], $0x80, v3, vm0, $0xb8;
	[tilespmem:$0xEA80] =	vst v63  }
0x26: {  	s15 =	simm.s32 $0x9B80  }
0x27: {  	[tilespmem:s15], [sflag:$0x1] =	stream.indirect_vreg.gather [hbm4b:s8+s4], $0x80, v3, vm1, $0xb8;
	[tilespmem:$0xEA80] =	vst v63  }
0x28: {  	v3 =	vld [tilespmem:$0x7790];
	_ =	sdelay $0x4  }
0x29: {  	v63 =	vshrl.u32 v3, $0x3  }
0x2a: {  	v4 =	vmul.u32 $0x18, v63  }
0x2b: {  	v3 =	vand.u32 $0x7, v3  }
0x2c: {  	v3 =	vor.u32 v3, v4  }
0x2d: {  	v4 =	vperm.xlane v3, v0;
	_ =	sdelay $0x1  }
0x2e: {  	v4 =	vadd.s32 v1, v4;
	_ =	sdelay $0x1  }
0x2f: {  	v3 =	vperm.xlane v3, v2;
	_ =	sdelay $0x1  }
0x30: {  	s16 =	simm.s32 $0x9F80;
	v3 =	vadd.s32 v1, v3  }
0x31: {  	[tilespmem:s16], [sflag:$0x1] =	stream.indirect_vreg.gather [hbm4b:s5+s4], $0x80, v4, vm0, $0xb8;
	[tilespmem:$0xEA80] =	vst v63  }
0x32: {  	s17 =	simm.s32 $0xA780  }
0x33: {  	[tilespmem:s17], [sflag:$0x1] =	stream.indirect_vreg.gather [hbm4b:s8+s4], $0x80, v4, vm1, $0xb8;
	[tilespmem:$0xEA80] =	vst v63  }
0x34: {  	s18 =	simm.s32 $0xAB80  }
0x35: {  	[tilespmem:s18], [sflag:$0x1] =	stream.indirect_vreg.gather [hbm4b:s5+s4], $0x80, v3, vm0, $0xb8;
	[tilespmem:$0xEA80] =	vst v63  }
0x36: {  	s19 =	simm.s32 $0xB380;
	s13 =	simm.s32 $0x0  }
0x37: {  	[tilespmem:s19], [sflag:$0x1] =	stream.indirect_vreg.gather [hbm4b:s8+s4], $0x80, v3, vm1, $0xb8;
	[tilespmem:$0xEA80] =	vst v63  }
.LBB2_2:
0x38: {  	s12 =	sshllo.u32 s13, $0x1  }
0x39: {  	s7 =	sshll.u32 s12, $0x5  }
0x3a: {  	s14 =	sand.u32 $0x3FFFFFE0, s7  }
0x3b: {  	v3 =	vld [tilespmem:s14+$0x7780];
	_ =	sdelay $0x4  }
0x3c: {  	v4 =	vshrl.u32 v3, $0x3  }
0x3d: {  	v4 =	vmul.u32 $0x18, v4  }
0x3e: {  	v3 =	vand.u32 $0x7, v3  }
0x3f: {  	v3 =	vor.u32 v3, v4  }
0x40: {  	v4 =	vperm.xlane v3, v0;
	_ =	sdelay $0x1  }
0x41: {  	v4 =	vadd.s32 v1, v4;
	_ =	sdelay $0x1  }
0x42: {  	v3 =	vperm.xlane v3, v2;
	_ =	sdelay $0x1  }
0x43: {  	v3 =	vadd.s32 v1, v3  }
0x44: {  	[tilespmem:s20], [sflag:$0x2] =	stream.indirect_vreg.gather [hbm4b:s5+s4], $0x80, v4, vm0, $0xb8;
	[tilespmem:$0xEA80] =	vst v63  }
0x45: {  	_ = 	snop  }
0x46: {  	[tilespmem:s21], [sflag:$0x2] =	stream.indirect_vreg.gather [hbm4b:s8+s4], $0x80, v4, vm1, $0xb8;
	[tilespmem:$0xEA80] =	vst v63  }
0x47: {  	_ = 	snop  }
0x48: {  	[tilespmem:s22], [sflag:$0x2] =	stream.indirect_vreg.gather [hbm4b:s5+s4], $0x80, v3, vm0, $0xb8;
	[tilespmem:$0xEA80] =	vst v63  }
0x49: {  	_ = 	snop  }
0x4a: {  	[tilespmem:s23], [sflag:$0x2] =	stream.indirect_vreg.gather [hbm4b:s8+s4], $0x80, v3, vm1, $0xb8;
	[tilespmem:$0xEA80] =	vst v63  }
0x4b: {  	v3 =	vld [tilespmem:s14+$0x7790];
	_ =	sdelay $0x4  }
0x4c: {  	v4 =	vshrl.u32 v3, $0x3  }
0x4d: {  	v4 =	vmul.u32 $0x18, v4  }
0x4e: {  	v3 =	vand.u32 $0x7, v3  }
0x4f: {  	v3 =	vor.u32 v3, v4  }
0x50: {  	v4 =	vperm.xlane v3, v0;
	_ =	sdelay $0x1  }
0x51: {  	v4 =	vadd.s32 v1, v4;
	_ =	sdelay $0x1  }
0x52: {  	v3 =	vperm.xlane v3, v2;
	_ =	sdelay $0x1  }
0x53: {  	v3 =	vadd.s32 v1, v3  }
0x54: {  	[tilespmem:s24], [sflag:$0x2] =	stream.indirect_vreg.gather [hbm4b:s5+s4], $0x80, v4, vm0, $0xb8;
	[tilespmem:$0xEA80] =	vst v63  }
0x55: {  	_ = 	snop  }
0x56: {  	[tilespmem:s25], [sflag:$0x2] =	stream.indirect_vreg.gather [hbm4b:s8+s4], $0x80, v4, vm1, $0xb8;
	[tilespmem:$0xEA80] =	vst v63  }
0x57: {  	_ = 	snop  }
0x58: {  	[tilespmem:s26], [sflag:$0x2] =	stream.indirect_vreg.gather [hbm4b:s5+s4], $0x80, v3, vm0, $0xb8;
	[tilespmem:$0xEA80] =	vst v63  }
0x59: {  	_ = 	snop  }
0x5a: {  	[tilespmem:s28], [sflag:$0x2] =	stream.indirect_vreg.gather [hbm4b:s8+s4], $0x80, v3, vm1, $0xb8;
	[tilespmem:$0xEA80] =	vst v63  }
0x5b: {  	_ =	swait.ge [sflag:s29], $0x3000  }
0x5c: {  	s16 =	sshll.u32 s13, $0x6;
	[sflag:s29] =	ssyncset.done $0x0  }
0x5d: {  	s15 =	sand.u32 $0x3FFFFFC0, s16;
	[sflag:s29] =	ssyncadd.s32 $0xFFFFD000  }
0x5e: {  	v3 =	vld [tilespmem:s15+$0x7780]  }
0x5f: {  	v4 =	vld [tilespmem:s15+$0x7790];
	_ =	sdelay $0x6  }
0x60: {  	v3 =	vld.idx.msk [tilespmem:v3+s4+$0x0], $0xffff  }
0x61: {  	v4 =	vld.idx.msk [tilespmem:v4+s4+$0x0], $0xffff;
	_ =	sdelay $0x4  }
0x62: {  	v5 =	vmax.f32 v3, v4  }
0x63: {  	(xrf0) =	vmax.scan.msk.f32 $0xffff, v5;
	_ =	sdelay $0x5  }
0x64: {  	v5, _, _ =	vpop (xrf0)  }
0x65: {  	v5 =	vbroadcast v5, $0xF;
	_ =	sdelay $0x1  }
0x66: {  	v3 =	vsub.f32 v3, v5  }
0x67: {  	v4 =	vsub.f32 v4, v5  }
0x68: {  	v3 =	vmul.f32 $1.442695020e+00, v3  }
0x69: {  	v4 =	vmul.f32 $1.442695020e+00, v4  }
0x6a: {  	(erf) = vpow2.f32 v3  }
0x6b: {  	(erf) = vpow2.f32 v4;
	_ =	sdelay $0x7  }
0x6c: {  	v3 =	vpop (erf)  }
0x6d: {  	v17 =	vpop (erf)  }
0x6e: {  	v4 =	vadd.f32 v17, v3;
	_ =	sdelay $0x1  }
0x6f: {  	(xrf2) =	vadd.scan.msk.f32 $0xffff, v4;
	_ =	sdelay $0x9  }
0x70: {  	v4, _, _ =	vpop (xrf2)  }
0x71: {  	v4 =	vbroadcast v4, $0xF;
	_ =	sdelay $0x1  }
0x72: {  	(erf) = vrcp.f32 v4;
	_ =	sdelay $0x7  }
0x73: {  	p0 =	seq.s32 s13, $0x0  }
0x74: {  	s7 =	simm.s32 @!p0 $0x3;
	v18 =	vpop (erf)  }
0x75: {  	s16 =	simm.s32 $0x0;
	_ =	swait.ge @!p0 [sflag:s7], $0x180  }
0x76: {  	s17 =	sand.u32 $0x70, s16;
	s16 =	sand.u32 $0xC00, s16;
	[sflag:s7] =	ssyncset.done @!p0 $0x0  }
0x77: {  	s17 =	sor.u32 s17, s16;
	[sflag:s7] =	ssyncadd.s32 @!p0 $0xFFFFFE80  }
0x78: {  	v5 =	vld [tilespmem:s17+$0x8780]  }
0x79: {  	v19 =	vmul.f32 v18, v3;
	v6 =	vld [tilespmem:s17+$0x8800];
	_ =	sdelay $0x1  }
0x7a: {  	v3 =	vbroadcast v19, $0x0;
	v4 =	vbroadcast v19, $0x1;
	v7 =	vld [tilespmem:s17+$0x8880];
	_ =	sdelay $0x1  }
0x7b: {  	v8 =	vbroadcast v19, $0x2;
	v9 =	vld [tilespmem:s17+$0x8900];
	v3 =	vpack.i.f32.bf16 v3, v3;
	v4 =	vpack.i.f32.bf16 v4, v4  }
0x7c: {  	v10 =	vmul.bf16 v5, v3;
	v6 =	vmul.bf16 v6, v4  }
0x7d: {  	v11 =	vld [tilespmem:s17+$0x8980];
	v5 =	vpack.i.f32.bf16 v8, v8;
	v8 =	vbroadcast v19, $0x3  }
0x7e: {  	v7 =	vmul.bf16 v7, v5;
	v10 =	vadd.bf16 v6, v10  }
0x7f: {  	v12 =	vld [tilespmem:s17+$0x8A00];
	v6 =	vpack.i.f32.bf16 v8, v8;
	v8 =	vbroadcast v19, $0x4  }
0x80: {  	v9 =	vmul.bf16 v9, v6;
	v10 =	vadd.bf16 v7, v10  }
0x81: {  	v13 =	vld [tilespmem:s17+$0x8A80];
	v7 =	vpack.i.f32.bf16 v8, v8;
	v8 =	vbroadcast v19, $0x5  }
0x82: {  	v9 =	vadd.bf16 v9, v10;
	v10 =	vmul.bf16 v11, v7  }
0x83: {  	v14 =	vld [tilespmem:s17+$0x8B00];
	v8 =	vpack.i.f32.bf16 v8, v8;
	v11 =	vbroadcast v19, $0x6  }
0x84: {  	v12 =	vmul.bf16 v12, v8;
	v10 =	vadd.bf16 v10, v9  }
0x85: {  	v15 =	vld [tilespmem:s17+$0x9380];
	v9 =	vpack.i.f32.bf16 v11, v11;
	v11 =	vbroadcast v19, $0x7  }
0x86: {  	v13 =	vmul.bf16 v13, v9;
	v12 =	vadd.bf16 v12, v10  }
0x87: {  	v16 =	vld [tilespmem:s17+$0x9400];
	v10 =	vpack.i.f32.bf16 v11, v11;
	v11 =	vbroadcast v19, $0x8  }
0x88: {  	v12 =	vadd.bf16 v13, v12;
	v13 =	vmul.bf16 v14, v10  }
0x89: {  	v20 =	vld [tilespmem:s17+$0x9480];
	v11 =	vpack.i.f32.bf16 v11, v11;
	v14 =	vbroadcast v19, $0x9  }
0x8a: {  	v15 =	vmul.bf16 v15, v11;
	v13 =	vadd.bf16 v13, v12  }
0x8b: {  	v21 =	vld [tilespmem:s17+$0x9500];
	v12 =	vpack.i.f32.bf16 v14, v14;
	v14 =	vbroadcast v19, $0xA  }
0x8c: {  	v16 =	vmul.bf16 v16, v12;
	v15 =	vadd.bf16 v15, v13  }
0x8d: {  	v22 =	vld [tilespmem:s17+$0x9580];
	v13 =	vpack.i.f32.bf16 v14, v14;
	v14 =	vbroadcast v19, $0xB  }
0x8e: {  	v15 =	vadd.bf16 v16, v15;
	v16 =	vmul.bf16 v20, v13  }
0x8f: {  	v23 =	vld [tilespmem:s17+$0x9600];
	v14 =	vpack.i.f32.bf16 v14, v14;
	v20 =	vbroadcast v19, $0xC  }
0x90: {  	v21 =	vmul.bf16 v21, v14;
	v16 =	vadd.bf16 v16, v15  }
0x91: {  	v24 =	vld [tilespmem:s17+$0x9680];
	v15 =	vpack.i.f32.bf16 v20, v20;
	v20 =	vbroadcast v19, $0xD  }
0x92: {  	v22 =	vmul.bf16 v22, v15;
	v21 =	vadd.bf16 v21, v16  }
0x93: {  	v25 =	vld [tilespmem:s17+$0x9700];
	v16 =	vpack.i.f32.bf16 v20, v20;
	v20 =	vbroadcast v19, $0xE  }
0x94: {  	v21 =	vadd.bf16 v22, v21;
	v22 =	vmul.bf16 v23, v16  }
0x95: {  	v34 =	vmul.f32 v18, v17;
	v18 =	vbroadcast v19, $0xF;
	v17 =	vpack.i.f32.bf16 v20, v20;
	v20 =	vld [tilespmem:s17+$0x9F80]  }
0x96: {  	v19 =	vadd.bf16 v22, v21;
	v21 =	vmul.bf16 v24, v17  }
0x97: {  	v18 =	vpack.i.f32.bf16 v18, v18;
	v23 =	vld [tilespmem:s17+$0xA000];
	v22 =	vbroadcast v34, $0x0  }
0x98: {  	v24 =	vmul.bf16 v25, v18;
	v21 =	vadd.bf16 v21, v19  }
0x99: {  	v25 =	vld [tilespmem:s17+$0xA080];
	v19 =	vpack.i.f32.bf16 v22, v22;
	v22 =	vbroadcast v34, $0x1  }
0x9a: {  	v21 =	vadd.bf16 v24, v21;
	v24 =	vmul.bf16 v20, v19  }
0x9b: {  	v26 =	vld [tilespmem:s17+$0xA100];
	v20 =	vpack.i.f32.bf16 v22, v22;
	v22 =	vbroadcast v34, $0x2  }
0x9c: {  	v23 =	vmul.bf16 v23, v20;
	v24 =	vadd.bf16 v24, v21  }
0x9d: {  	v27 =	vld [tilespmem:s17+$0xA180];
	v21 =	vpack.i.f32.bf16 v22, v22;
	v22 =	vbroadcast v34, $0x3  }
0x9e: {  	v23 =	vadd.bf16 v23, v24;
	v24 =	vmul.bf16 v25, v21  }
0x9f: {  	v28 =	vld [tilespmem:s17+$0xA200];
	v22 =	vpack.i.f32.bf16 v22, v22;
	v25 =	vbroadcast v34, $0x4  }
0xa0: {  	v26 =	vmul.bf16 v26, v22;
	v24 =	vadd.bf16 v24, v23  }
0xa1: {  	v29 =	vld [tilespmem:s17+$0xA280];
	v23 =	vpack.i.f32.bf16 v25, v25;
	v25 =	vbroadcast v34, $0x5  }
0xa2: {  	v27 =	vmul.bf16 v27, v23;
	v26 =	vadd.bf16 v26, v24  }
0xa3: {  	v30 =	vld [tilespmem:s17+$0xA300];
	v24 =	vpack.i.f32.bf16 v25, v25;
	v25 =	vbroadcast v34, $0x6  }
0xa4: {  	v26 =	vadd.bf16 v27, v26;
	v27 =	vmul.bf16 v28, v24  }
0xa5: {  	v31 =	vld [tilespmem:s17+$0xAB80];
	v25 =	vpack.i.f32.bf16 v25, v25;
	v28 =	vbroadcast v34, $0x7  }
0xa6: {  	v29 =	vmul.bf16 v29, v25;
	v27 =	vadd.bf16 v27, v26  }
0xa7: {  	v32 =	vld [tilespmem:s17+$0xAC00];
	v26 =	vpack.i.f32.bf16 v28, v28;
	v28 =	vbroadcast v34, $0x8  }
0xa8: {  	v30 =	vmul.bf16 v30, v26;
	v29 =	vadd.bf16 v29, v27  }
0xa9: {  	v33 =	vld [tilespmem:s17+$0xAC80];
	v27 =	vpack.i.f32.bf16 v28, v28;
	v28 =	vbroadcast v34, $0x9  }
0xaa: {  	v29 =	vadd.bf16 v30, v29;
	v30 =	vmul.bf16 v31, v27  }
0xab: {  	v35 =	vld [tilespmem:s17+$0xAD00];
	v28 =	vpack.i.f32.bf16 v28, v28;
	v31 =	vbroadcast v34, $0xA  }
0xac: {  	v32 =	vmul.bf16 v32, v28;
	v30 =	vadd.bf16 v30, v29  }
0xad: {  	v36 =	vld [tilespmem:s17+$0xAD80];
	v29 =	vpack.i.f32.bf16 v31, v31;
	v31 =	vbroadcast v34, $0xB  }
0xae: {  	v33 =	vmul.bf16 v33, v29;
	v32 =	vadd.bf16 v32, v30  }
0xaf: {  	v37 =	vld [tilespmem:s17+$0xAE00];
	v30 =	vpack.i.f32.bf16 v31, v31;
	v31 =	vbroadcast v34, $0xC  }
0xb0: {  	v58 =	vmul.bf16 v35, v30;
	v32 =	vadd.bf16 v33, v32  }
0xb1: {  	v59 =	vbroadcast v34, $0xD;
	v38 =	vld [tilespmem:s17+$0xAE80];
	v31 =	vpack.i.f32.bf16 v31, v31  }
0xb2: {  	v36 =	vmul.bf16 v36, v31;
	v33 =	vadd.bf16 v58, v32  }
0xb3: {  	v60 =	vbroadcast v34, $0xE;
	v39 =	vld [tilespmem:s17+$0xAF00];
	v32 =	vpack.i.f32.bf16 v59, v59  }
0xb4: {  	v37 =	vmul.bf16 v37, v32;
	v36 =	vadd.bf16 v36, v33  }
0xb5: {  	v34 =	vbroadcast v34, $0xF;
	v33 =	vpack.i.f32.bf16 v60, v60  }
0xb6: {  	v62 =	vmul.bf16 v38, v33;
	v61 =	vadd.bf16 v37, v36  }
0xb7: {  	v34 =	vpack.i.f32.bf16 v34, v34  }
0xb8: {  	v63 =	vmul.bf16 v39, v34;
	v35 =	vadd.bf16 v62, v61;
	_ =	sdelay $0x1  }
0xb9: {  	s18 =	simm.s32 $0x10;
	s19 =	simm.s32 $0x80;
	v35 =	vadd.bf16 v63, v35  }
0xba: {  	s16 =	simm.s32 $0xE780;
	s7 =	sand.u32 $0x70, s18;
	s18 =	sand.u32 $0xC00, s19  }
0xbb: {  	s18 =	sor.u32 s7, s18;
	s7 =	simm.s32 $0x20;
	s17 =	sshll.u32 s13, $0x1;
	[tilespmem:s16+$0x0] =	vst v35  }
.LBB2_3:
0xbc: {  	p1 =	sne.s32 s7, $0x170;
	v35 =	vld [tilespmem:s18+$0x8780]  }
0xbd: {  	v36 =	vld [tilespmem:s18+$0x8800];
	_ =	sdelay $0x1  }
0xbe: {  	v37 =	vld [tilespmem:s18+$0x8880];
	_ =	sdelay $0x1  }
0xbf: {  	v38 =	vld [tilespmem:s18+$0x8900]  }
0xc0: {  	v35 =	vmul.bf16 v35, v3;
	v36 =	vmul.bf16 v36, v4  }
0xc1: {  	v39 =	vld [tilespmem:s18+$0x8980]  }
0xc2: {  	v35 =	vadd.bf16 v36, v35;
	v36 =	vmul.bf16 v37, v5  }
0xc3: {  	v37 =	vld [tilespmem:s18+$0x8A00]  }
0xc4: {  	v35 =	vadd.bf16 v36, v35;
	v36 =	vmul.bf16 v38, v6  }
0xc5: {  	v38 =	vld [tilespmem:s18+$0x8A80]  }
0xc6: {  	v35 =	vadd.bf16 v36, v35;
	v36 =	vmul.bf16 v39, v7  }
0xc7: {  	v39 =	vld [tilespmem:s18+$0x8B00]  }
0xc8: {  	v35 =	vadd.bf16 v36, v35;
	v36 =	vmul.bf16 v37, v8  }
0xc9: {  	v37 =	vld [tilespmem:s18+$0x9380]  }
0xca: {  	v35 =	vadd.bf16 v36, v35;
	v36 =	vmul.bf16 v38, v9  }
0xcb: {  	v38 =	vld [tilespmem:s18+$0x9400]  }
0xcc: {  	v35 =	vadd.bf16 v36, v35;
	v36 =	vmul.bf16 v39, v10  }
0xcd: {  	v39 =	vld [tilespmem:s18+$0x9480]  }
0xce: {  	v35 =	vadd.bf16 v36, v35;
	v36 =	vmul.bf16 v37, v11  }
0xcf: {  	v37 =	vld [tilespmem:s18+$0x9500]  }
0xd0: {  	v35 =	vadd.bf16 v36, v35;
	v36 =	vmul.bf16 v38, v12  }
0xd1: {  	v38 =	vld [tilespmem:s18+$0x9580]  }
0xd2: {  	v35 =	vadd.bf16 v36, v35;
	v36 =	vmul.bf16 v39, v13  }
0xd3: {  	v39 =	vld [tilespmem:s18+$0x9600]  }
0xd4: {  	v35 =	vadd.bf16 v36, v35;
	v36 =	vmul.bf16 v37, v14  }
0xd5: {  	v37 =	vld [tilespmem:s18+$0x9680]  }
0xd6: {  	v35 =	vadd.bf16 v36, v35;
	v36 =	vmul.bf16 v38, v15  }
0xd7: {  	v38 =	vld [tilespmem:s18+$0x9700]  }
0xd8: {  	v35 =	vadd.bf16 v36, v35;
	v36 =	vmul.bf16 v39, v16  }
0xd9: {  	v39 =	vld [tilespmem:s18+$0x9F80]  }
0xda: {  	v35 =	vadd.bf16 v36, v35;
	v36 =	vmul.bf16 v37, v17  }
0xdb: {  	v37 =	vld [tilespmem:s18+$0xA000]  }
0xdc: {  	v35 =	vadd.bf16 v36, v35;
	v36 =	vmul.bf16 v38, v18  }
0xdd: {  	v38 =	vld [tilespmem:s18+$0xA080]  }
0xde: {  	v35 =	vadd.bf16 v36, v35;
	v36 =	vmul.bf16 v39, v19  }
0xdf: {  	v39 =	vld [tilespmem:s18+$0xA100]  }
0xe0: {  	v35 =	vadd.bf16 v36, v35;
	v36 =	vmul.bf16 v37, v20  }
0xe1: {  	v37 =	vld [tilespmem:s18+$0xA180]  }
0xe2: {  	v35 =	vadd.bf16 v36, v35;
	v36 =	vmul.bf16 v38, v21  }
0xe3: {  	v38 =	vld [tilespmem:s18+$0xA200]  }
0xe4: {  	v35 =	vadd.bf16 v36, v35;
	v36 =	vmul.bf16 v39, v22  }
0xe5: {  	v39 =	vld [tilespmem:s18+$0xA280]  }
0xe6: {  	v35 =	vadd.bf16 v36, v35;
	v36 =	vmul.bf16 v37, v23  }
0xe7: {  	v37 =	vld [tilespmem:s18+$0xA300]  }
0xe8: {  	v35 =	vadd.bf16 v36, v35;
	v36 =	vmul.bf16 v38, v24  }
0xe9: {  	v38 =	vld [tilespmem:s18+$0xAB80]  }
0xea: {  	v35 =	vadd.bf16 v36, v35;
	v36 =	vmul.bf16 v39, v25  }
0xeb: {  	v39 =	vld [tilespmem:s18+$0xAC00]  }
0xec: {  	v35 =	vadd.bf16 v36, v35;
	v36 =	vmul.bf16 v37, v26  }
0xed: {  	v37 =	vld [tilespmem:s18+$0xAC80]  }
0xee: {  	v35 =	vadd.bf16 v36, v35;
	v36 =	vmul.bf16 v38, v27  }
0xef: {  	v38 =	vld [tilespmem:s18+$0xAD00]  }
0xf0: {  	v35 =	vadd.bf16 v36, v35;
	v36 =	vmul.bf16 v39, v28  }
0xf1: {  	v39 =	vld [tilespmem:s18+$0xAD80]  }
0xf2: {  	v35 =	vadd.bf16 v36, v35;
	v36 =	vmul.bf16 v37, v29  }
0xf3: {  	v37 =	vld [tilespmem:s18+$0xAE00]  }
0xf4: {  	v35 =	vadd.bf16 v36, v35;
	v36 =	vmul.bf16 v38, v30  }
0xf5: {  	v38 =	vld [tilespmem:s18+$0xAE80]  }
0xf6: {  	v35 =	vadd.bf16 v36, v35;
	v36 =	vmul.bf16 v39, v31  }
0xf7: {  	v39 =	vld [tilespmem:s18+$0xAF00]  }
0xf8: {  	v35 =	vadd.bf16 v36, v35;
	v36 =	vmul.bf16 v37, v32;
	_ =	sdelay $0x1  }
0xf9: {  	v35 =	vadd.bf16 v36, v35;
	v36 =	vmul.bf16 v38, v33;
	_ =	sdelay $0x1  }
.Ltmp0:
0xfa: {  	v35 =	vadd.bf16 v36, v35;
	v36 =	vmul.bf16 v39, v34;
	(pc) =	sbr.rel @p1 .LBB2_3-.Ltmp0, $4  }
0xfb: {  	_ = 	snop  }
0xfc: {  	s19 =	sadd.s32 $0x80, s19;
	v35 =	vadd.bf16 v36, v35  }
0xfd: {  	s16 =	sadd.s32 $0x10, s16;
	s9 =	sand.u32 $0xC00, s19;
	s18 =	sand.u32 $0x70, s7  }
0xfe: {  	s7 =	sadd.s32 $0x10, s7;
	s18 =	sor.u32 s18, s9;
	[tilespmem:s16+$0x0] =	vst v35  }
0xff: {  	v35 =	vld [tilespmem:s18+$0x8780]  }
0x100: {  	v36 =	vld [tilespmem:s18+$0x8800];
	_ =	sdelay $0x1  }
0x101: {  	v37 =	vld [tilespmem:s18+$0x8880];
	_ =	sdelay $0x1  }
0x102: {  	v38 =	vld [tilespmem:s18+$0x8900]  }
0x103: {  	v3 =	vmul.bf16 v35, v3;
	v4 =	vmul.bf16 v36, v4  }
0x104: {  	v50 =	vld [tilespmem:s18+$0x8980]  }
0x105: {  	v3 =	vadd.bf16 v4, v3;
	v4 =	vmul.bf16 v37, v5  }
0x106: {  	v5 =	vld [tilespmem:s18+$0x8A00]  }
0x107: {  	v3 =	vadd.bf16 v4, v3;
	v4 =	vmul.bf16 v38, v6  }
0x108: {  	v6 =	vld [tilespmem:s18+$0x8A80]  }
0x109: {  	v3 =	vadd.bf16 v4, v3;
	v4 =	vmul.bf16 v50, v7  }
0x10a: {  	v7 =	vld [tilespmem:s18+$0x8B00]  }
0x10b: {  	v3 =	vadd.bf16 v4, v3;
	v4 =	vmul.bf16 v5, v8  }
0x10c: {  	v5 =	vld [tilespmem:s18+$0x9380]  }
0x10d: {  	v3 =	vadd.bf16 v4, v3;
	v4 =	vmul.bf16 v6, v9  }
0x10e: {  	v6 =	vld [tilespmem:s18+$0x9400]  }
0x10f: {  	v3 =	vadd.bf16 v4, v3;
	v4 =	vmul.bf16 v7, v10  }
0x110: {  	v7 =	vld [tilespmem:s18+$0x9480]  }
0x111: {  	v3 =	vadd.bf16 v4, v3;
	v4 =	vmul.bf16 v5, v11  }
0x112: {  	v5 =	vld [tilespmem:s18+$0x9500]  }
0x113: {  	v3 =	vadd.bf16 v4, v3;
	v4 =	vmul.bf16 v6, v12  }
0x114: {  	v6 =	vld [tilespmem:s18+$0x9580]  }
0x115: {  	v3 =	vadd.bf16 v4, v3;
	v4 =	vmul.bf16 v7, v13  }
0x116: {  	v7 =	vld [tilespmem:s18+$0x9600]  }
0x117: {  	v3 =	vadd.bf16 v4, v3;
	v4 =	vmul.bf16 v5, v14  }
0x118: {  	v5 =	vld [tilespmem:s18+$0x9680]  }
0x119: {  	v3 =	vadd.bf16 v4, v3;
	v4 =	vmul.bf16 v6, v15  }
0x11a: {  	v6 =	vld [tilespmem:s18+$0x9700]  }
0x11b: {  	v3 =	vadd.bf16 v4, v3;
	v4 =	vmul.bf16 v7, v16  }
0x11c: {  	v7 =	vld [tilespmem:s18+$0x9F80]  }
0x11d: {  	v3 =	vadd.bf16 v4, v3;
	v4 =	vmul.bf16 v5, v17  }
0x11e: {  	v5 =	vld [tilespmem:s18+$0xA000]  }
0x11f: {  	v3 =	vadd.bf16 v4, v3;
	v4 =	vmul.bf16 v6, v18  }
0x120: {  	v6 =	vld [tilespmem:s18+$0xA080]  }
0x121: {  	v3 =	vadd.bf16 v4, v3;
	v4 =	vmul.bf16 v7, v19  }
0x122: {  	v7 =	vld [tilespmem:s18+$0xA100]  }
0x123: {  	v3 =	vadd.bf16 v4, v3;
	v4 =	vmul.bf16 v5, v20  }
0x124: {  	v5 =	vld [tilespmem:s18+$0xA180]  }
0x125: {  	v3 =	vadd.bf16 v4, v3;
	v4 =	vmul.bf16 v6, v21  }
0x126: {  	v6 =	vld [tilespmem:s18+$0xA200]  }
0x127: {  	v3 =	vadd.bf16 v4, v3;
	v4 =	vmul.bf16 v7, v22  }
0x128: {  	v7 =	vld [tilespmem:s18+$0xA280]  }
0x129: {  	v3 =	vadd.bf16 v4, v3;
	v4 =	vmul.bf16 v5, v23  }
0x12a: {  	v5 =	vld [tilespmem:s18+$0xA300]  }
0x12b: {  	v3 =	vadd.bf16 v4, v3;
	v4 =	vmul.bf16 v6, v24  }
0x12c: {  	v6 =	vld [tilespmem:s18+$0xAB80]  }
0x12d: {  	v3 =	vadd.bf16 v4, v3;
	v4 =	vmul.bf16 v7, v25  }
0x12e: {  	v7 =	vld [tilespmem:s18+$0xAC00]  }
0x12f: {  	v3 =	vadd.bf16 v4, v3;
	v4 =	vmul.bf16 v5, v26  }
0x130: {  	v5 =	vld [tilespmem:s18+$0xAC80]  }
0x131: {  	v3 =	vadd.bf16 v4, v3;
	v4 =	vmul.bf16 v6, v27  }
0x132: {  	v6 =	vld [tilespmem:s18+$0xAD00]  }
0x133: {  	v3 =	vadd.bf16 v4, v3;
	v4 =	vmul.bf16 v7, v28  }
0x134: {  	v7 =	vld [tilespmem:s18+$0xAD80]  }
0x135: {  	v3 =	vadd.bf16 v4, v3;
	v4 =	vmul.bf16 v5, v29  }
0x136: {  	v5 =	vld [tilespmem:s18+$0xAE00]  }
0x137: {  	v3 =	vadd.bf16 v4, v3;
	v4 =	vmul.bf16 v6, v30  }
0x138: {  	v6 =	vld [tilespmem:s18+$0xAE80]  }
0x139: {  	v3 =	vadd.bf16 v4, v3;
	v4 =	vmul.bf16 v7, v31  }
0x13a: {  	v7 =	vld [tilespmem:s18+$0xAF00]  }
0x13b: {  	v3 =	vadd.bf16 v4, v3;
	v4 =	vmul.bf16 v5, v32;
	_ =	sdelay $0x1  }
0x13c: {  	v3 =	vadd.bf16 v4, v3;
	v4 =	vmul.bf16 v6, v33;
	_ =	sdelay $0x1  }
0x13d: {  	v3 =	vadd.bf16 v4, v3;
	v4 =	vmul.bf16 v7, v34  }
0x13e: {  	s7 =	sadd.s32 s6, s17  }
0x13f: {  	s7 =	smul.u32 $0x30, s7;
	v3 =	vadd.bf16 v4, v3  }
0x140: {  	s9 =	sadd.s32 $0x10, s16  }
0x141: {  	p1 =	seq.s32 s13, $0x3F;
	s7 =	sadd.s32 s3, s7;
	[tilespmem:s9+$0x0] =	vst v3  }
0x142: {  	[hbm4b:s7+s4] =	stream.linear.scatter [tilespmem:s30], [sflag:$0x3], $0x180, $0x38;
	[tilespmem:$0xEA80] =	vst v63  }
0x143: {  	v3 =	vld @!p1 [tilespmem:s15+$0x77C0];
	_ =	sdelay $0x4  }
0x144: {  	v4 =	vshrl.u32 @!p1 v3, $0x3  }
0x145: {  	v4 =	vmul.u32 @!p1 $0x18, v4  }
0x146: {  	v5 =	vlaneseq.u32 @!p1;
	v3 =	vand.u32 @!p1 $0x7, v3  }
0x147: {  	v6 =	vshrl.u32 @!p1 v5, $0x3;
	v3 =	vor.u32 @!p1 v3, v4;
	v4 =	vand.u32 @!p1 $0x7, v5  }
0x148: {  	v6 =	vmul.u32 @!p1 $0x8, v6;
	v7 =	vperm.xlane @!p1 v3, v4;
	_ =	sdelay $0x1  }
0x149: {  	v7 =	vadd.s32 @!p1 v6, v7  }
0x14a: {  	v5 =	vor.u32 @!p1 $0x8, v5  }
0x14b: {  	v3 =	vperm.xlane @!p1 v3, v5;
	_ =	sdelay $0x1  }
0x14c: {  	vm2 =	vmmov @!p1 $0xffff;
	s9 =	simm.s32 @!p1 $0x8780;
	s7 =	simm.s32 @!p1 $0x0;
	v3 =	vadd.s32 @!p1 v6, v3  }
0x14d: {  	[tilespmem:s9], [sflag:$0x1] =	stream.indirect_vreg.gather @!p1 [hbm4b:s5+s7], $0x80, v7, vm2, $0xb8;
	[tilespmem:$0xEA80] =	vst v63  }
0x14e: {  	vm3 =	vmmov @!p1 $0xff;
	s9 =	simm.s32 @!p1 $0x8F80  }
0x14f: {  	[tilespmem:s9], [sflag:$0x1] =	stream.indirect_vreg.gather @!p1 [hbm4b:s8+s7], $0x80, v7, vm3, $0xb8;
	[tilespmem:$0xEA80] =	vst v63  }
0x150: {  	s9 =	simm.s32 @!p1 $0x9380  }
0x151: {  	[tilespmem:s9], [sflag:$0x1] =	stream.indirect_vreg.gather @!p1 [hbm4b:s5+s7], $0x80, v3, vm2, $0xb8;
	[tilespmem:$0xEA80] =	vst v63  }
0x152: {  	s9 =	simm.s32 @!p1 $0x9B80  }
0x153: {  	[tilespmem:s9], [sflag:$0x1] =	stream.indirect_vreg.gather @!p1 [hbm4b:s8+s7], $0x80, v3, vm3, $0xb8;
	[tilespmem:$0xEA80] =	vst v63  }
0x154: {  	v3 =	vld @!p1 [tilespmem:s15+$0x77D0];
	_ =	sdelay $0x4  }
0x155: {  	v7 =	vshrl.u32 @!p1 v3, $0x3  }
0x156: {  	v7 =	vmul.u32 @!p1 $0x18, v7  }
0x157: {  	v3 =	vand.u32 @!p1 $0x7, v3  }
0x158: {  	v3 =	vor.u32 @!p1 v3, v7  }
0x159: {  	v4 =	vperm.xlane @!p1 v3, v4;
	_ =	sdelay $0x1  }
0x15a: {  	v4 =	vadd.s32 @!p1 v6, v4;
	_ =	sdelay $0x1  }
0x15b: {  	v3 =	vperm.xlane @!p1 v3, v5;
	_ =	sdelay $0x1  }
0x15c: {  	s9 =	simm.s32 @!p1 $0x9F80;
	v3 =	vadd.s32 @!p1 v6, v3  }
0x15d: {  	[tilespmem:s9], [sflag:$0x1] =	stream.indirect_vreg.gather @!p1 [hbm4b:s5+s7], $0x80, v4, vm2, $0xb8;
	[tilespmem:$0xEA80] =	vst v63  }
0x15e: {  	s9 =	simm.s32 @!p1 $0xA780  }
0x15f: {  	[tilespmem:s9], [sflag:$0x1] =	stream.indirect_vreg.gather @!p1 [hbm4b:s8+s7], $0x80, v4, vm3, $0xb8;
	[tilespmem:$0xEA80] =	vst v63  }
0x160: {  	s9 =	simm.s32 @!p1 $0xAB80  }
0x161: {  	[tilespmem:s9], [sflag:$0x1] =	stream.indirect_vreg.gather @!p1 [hbm4b:s5+s7], $0x80, v3, vm2, $0xb8;
	[tilespmem:$0xEA80] =	vst v63  }
0x162: {  	s9 =	simm.s32 @!p1 $0xB380  }
0x163: {  	[tilespmem:s9], [sflag:$0x1] =	stream.indirect_vreg.gather @!p1 [hbm4b:s8+s7], $0x80, v3, vm3, $0xb8;
	[tilespmem:$0xEA80] =	vst v63  }
0x164: {  	_ =	swait.ge [sflag:s31], $0x3000  }
0x165: {  	[sflag:s31] =	ssyncset.done $0x0  }
0x166: {  	[sflag:s31] =	ssyncadd.s32 $0xFFFFD000  }
0x167: {  	v3 =	vld [tilespmem:s14+$0x7780]  }
0x168: {  	v4 =	vld [tilespmem:s14+$0x7790];
	_ =	sdelay $0x6  }
0x169: {  	v3 =	vld.idx.msk [tilespmem:v3+s4+$0x0], $0xffff  }
0x16a: {  	v4 =	vld.idx.msk [tilespmem:v4+s4+$0x0], $0xffff;
	_ =	sdelay $0x4  }
0x16b: {  	v5 =	vmax.f32 v3, v4  }
0x16c: {  	(xrf0) =	vmax.scan.msk.f32 $0xffff, v5;
	_ =	sdelay $0x5  }
0x16d: {  	v5, _, _ =	vpop (xrf0)  }
0x16e: {  	v5 =	vbroadcast v5, $0xF;
	_ =	sdelay $0x1  }
0x16f: {  	v3 =	vsub.f32 v3, v5  }
0x170: {  	v4 =	vsub.f32 v4, v5  }
0x171: {  	v3 =	vmul.f32 $1.442695020e+00, v3  }
0x172: {  	v4 =	vmul.f32 $1.442695020e+00, v4  }
0x173: {  	(erf) = vpow2.f32 v3  }
0x174: {  	(erf) = vpow2.f32 v4;
	_ =	sdelay $0x7  }
0x175: {  	v3 =	vpop (erf)  }
0x176: {  	v17 =	vpop (erf)  }
0x177: {  	v4 =	vadd.f32 v17, v3;
	_ =	sdelay $0x1  }
0x178: {  	(xrf2) =	vadd.scan.msk.f32 $0xffff, v4;
	_ =	sdelay $0x9  }
0x179: {  	v4, _, _ =	vpop (xrf2)  }
0x17a: {  	v4 =	vbroadcast v4, $0xF;
	_ =	sdelay $0x1  }
0x17b: {  	(erf) = vrcp.f32 v4;
	_ =	sdelay $0x8  }
0x17c: {  	s7 =	simm.s32 @!p0 $0x4;
	v18 =	vpop (erf)  }
0x17d: {  	s15 =	simm.s32 $0x0;
	_ =	swait.ge @!p0 [sflag:s7], $0x180  }
0x17e: {  	s16 =	sand.u32 $0x70, s15;
	s9 =	sand.u32 $0xC00, s15;
	[sflag:s7] =	ssyncset.done @!p0 $0x0  }
0x17f: {  	s17 =	sor.u32 s16, s9;
	[sflag:s7] =	ssyncadd.s32 @!p0 $0xFFFFFE80  }
0x180: {  	v5 =	vld [tilespmem:s17+$0xB780]  }
0x181: {  	v19 =	vmul.f32 v18, v3;
	v6 =	vld [tilespmem:s17+$0xB800];
	_ =	sdelay $0x1  }
0x182: {  	v3 =	vbroadcast v19, $0x0;
	v4 =	vbroadcast v19, $0x1;
	v7 =	vld [tilespmem:s17+$0xB880];
	_ =	sdelay $0x1  }
0x183: {  	v8 =	vbroadcast v19, $0x2;
	v9 =	vld [tilespmem:s17+$0xB900];
	v3 =	vpack.i.f32.bf16 v3, v3;
	v4 =	vpack.i.f32.bf16 v4, v4  }
0x184: {  	v10 =	vmul.bf16 v5, v3;
	v6 =	vmul.bf16 v6, v4  }
0x185: {  	v11 =	vld [tilespmem:s17+$0xB980];
	v5 =	vpack.i.f32.bf16 v8, v8;
	v8 =	vbroadcast v19, $0x3  }
0x186: {  	v7 =	vmul.bf16 v7, v5;
	v10 =	vadd.bf16 v6, v10  }
0x187: {  	v12 =	vld [tilespmem:s17+$0xBA00];
	v6 =	vpack.i.f32.bf16 v8, v8;
	v8 =	vbroadcast v19, $0x4  }
0x188: {  	v9 =	vmul.bf16 v9, v6;
	v10 =	vadd.bf16 v7, v10  }
0x189: {  	v13 =	vld [tilespmem:s17+$0xBA80];
	v7 =	vpack.i.f32.bf16 v8, v8;
	v8 =	vbroadcast v19, $0x5  }
0x18a: {  	v9 =	vadd.bf16 v9, v10;
	v10 =	vmul.bf16 v11, v7  }
0x18b: {  	v14 =	vld [tilespmem:s17+$0xBB00];
	v8 =	vpack.i.f32.bf16 v8, v8;
	v11 =	vbroadcast v19, $0x6  }
0x18c: {  	v12 =	vmul.bf16 v12, v8;
	v10 =	vadd.bf16 v10, v9  }
0x18d: {  	v15 =	vld [tilespmem:s17+$0xC380];
	v9 =	vpack.i.f32.bf16 v11, v11;
	v11 =	vbroadcast v19, $0x7  }
0x18e: {  	v13 =	vmul.bf16 v13, v9;
	v12 =	vadd.bf16 v12, v10  }
0x18f: {  	v16 =	vld [tilespmem:s17+$0xC400];
	v10 =	vpack.i.f32.bf16 v11, v11;
	v11 =	vbroadcast v19, $0x8  }
0x190: {  	v12 =	vadd.bf16 v13, v12;
	v13 =	vmul.bf16 v14, v10  }
0x191: {  	v20 =	vld [tilespmem:s17+$0xC480];
	v11 =	vpack.i.f32.bf16 v11, v11;
	v14 =	vbroadcast v19, $0x9  }
0x192: {  	v15 =	vmul.bf16 v15, v11;
	v13 =	vadd.bf16 v13, v12  }
0x193: {  	v21 =	vld [tilespmem:s17+$0xC500];
	v12 =	vpack.i.f32.bf16 v14, v14;
	v14 =	vbroadcast v19, $0xA  }
0x194: {  	v16 =	vmul.bf16 v16, v12;
	v15 =	vadd.bf16 v15, v13  }
0x195: {  	v22 =	vld [tilespmem:s17+$0xC580];
	v13 =	vpack.i.f32.bf16 v14, v14;
	v14 =	vbroadcast v19, $0xB  }
0x196: {  	v15 =	vadd.bf16 v16, v15;
	v16 =	vmul.bf16 v20, v13  }
0x197: {  	v23 =	vld [tilespmem:s17+$0xC600];
	v14 =	vpack.i.f32.bf16 v14, v14;
	v20 =	vbroadcast v19, $0xC  }
0x198: {  	v21 =	vmul.bf16 v21, v14;
	v16 =	vadd.bf16 v16, v15  }
0x199: {  	v24 =	vld [tilespmem:s17+$0xC680];
	v15 =	vpack.i.f32.bf16 v20, v20;
	v20 =	vbroadcast v19, $0xD  }
0x19a: {  	v22 =	vmul.bf16 v22, v15;
	v21 =	vadd.bf16 v21, v16  }
0x19b: {  	v25 =	vld [tilespmem:s17+$0xC700];
	v16 =	vpack.i.f32.bf16 v20, v20;
	v20 =	vbroadcast v19, $0xE  }
0x19c: {  	v21 =	vadd.bf16 v22, v21;
	v22 =	vmul.bf16 v23, v16  }
0x19d: {  	v51 =	vmul.f32 v18, v17;
	v18 =	vbroadcast v19, $0xF;
	v17 =	vpack.i.f32.bf16 v20, v20;
	v20 =	vld [tilespmem:s17+$0xCF80]  }
0x19e: {  	v19 =	vadd.bf16 v22, v21;
	v21 =	vmul.bf16 v24, v17  }
0x19f: {  	v18 =	vpack.i.f32.bf16 v18, v18;
	v23 =	vld [tilespmem:s17+$0xD000];
	v22 =	vbroadcast v51, $0x0  }
0x1a0: {  	v24 =	vmul.bf16 v25, v18;
	v21 =	vadd.bf16 v21, v19  }
0x1a1: {  	v25 =	vld [tilespmem:s17+$0xD080];
	v19 =	vpack.i.f32.bf16 v22, v22;
	v22 =	vbroadcast v51, $0x1  }
0x1a2: {  	v21 =	vadd.bf16 v24, v21;
	v24 =	vmul.bf16 v20, v19  }
0x1a3: {  	v26 =	vld [tilespmem:s17+$0xD100];
	v20 =	vpack.i.f32.bf16 v22, v22;
	v22 =	vbroadcast v51, $0x2  }
0x1a4: {  	v23 =	vmul.bf16 v23, v20;
	v24 =	vadd.bf16 v24, v21  }
0x1a5: {  	v27 =	vld [tilespmem:s17+$0xD180];
	v21 =	vpack.i.f32.bf16 v22, v22;
	v22 =	vbroadcast v51, $0x3  }
0x1a6: {  	v23 =	vadd.bf16 v23, v24;
	v24 =	vmul.bf16 v25, v21  }
0x1a7: {  	v28 =	vld [tilespmem:s17+$0xD200];
	v22 =	vpack.i.f32.bf16 v22, v22;
	v25 =	vbroadcast v51, $0x4  }
0x1a8: {  	v26 =	vmul.bf16 v26, v22;
	v24 =	vadd.bf16 v24, v23  }
0x1a9: {  	v29 =	vld [tilespmem:s17+$0xD280];
	v23 =	vpack.i.f32.bf16 v25, v25;
	v25 =	vbroadcast v51, $0x5  }
0x1aa: {  	v27 =	vmul.bf16 v27, v23;
	v26 =	vadd.bf16 v26, v24  }
0x1ab: {  	v30 =	vld [tilespmem:s17+$0xD300];
	v24 =	vpack.i.f32.bf16 v25, v25;
	v25 =	vbroadcast v51, $0x6  }
0x1ac: {  	v26 =	vadd.bf16 v27, v26;
	v27 =	vmul.bf16 v28, v24  }
0x1ad: {  	v31 =	vld [tilespmem:s17+$0xDB80];
	v25 =	vpack.i.f32.bf16 v25, v25;
	v28 =	vbroadcast v51, $0x7  }
0x1ae: {  	v29 =	vmul.bf16 v29, v25;
	v27 =	vadd.bf16 v27, v26  }
0x1af: {  	v52 =	vld [tilespmem:s17+$0xDC00];
	v26 =	vpack.i.f32.bf16 v28, v28;
	v28 =	vbroadcast v51, $0x8  }
0x1b0: {  	v30 =	vmul.bf16 v30, v26;
	v29 =	vadd.bf16 v29, v27  }
0x1b1: {  	v53 =	vld [tilespmem:s17+$0xDC80];
	v27 =	vpack.i.f32.bf16 v28, v28;
	v28 =	vbroadcast v51, $0x9  }
0x1b2: {  	v29 =	vadd.bf16 v30, v29;
	v30 =	vmul.bf16 v31, v27  }
0x1b3: {  	v54 =	vld [tilespmem:s17+$0xDD00];
	v28 =	vpack.i.f32.bf16 v28, v28;
	v31 =	vbroadcast v51, $0xA  }
0x1b4: {  	v32 =	vmul.bf16 v52, v28;
	v30 =	vadd.bf16 v30, v29  }
0x1b5: {  	v55 =	vld [tilespmem:s17+$0xDD80];
	v29 =	vpack.i.f32.bf16 v31, v31;
	v31 =	vbroadcast v51, $0xB  }
0x1b6: {  	v33 =	vmul.bf16 v53, v29;
	v32 =	vadd.bf16 v32, v30  }
0x1b7: {  	v56 =	vld [tilespmem:s17+$0xDE00];
	v30 =	vpack.i.f32.bf16 v31, v31;
	v31 =	vbroadcast v51, $0xC  }
0x1b8: {  	v57 =	vmul.bf16 v54, v30;
	v32 =	vadd.bf16 v33, v32  }
0x1b9: {  	v58 =	vbroadcast v51, $0xD;
	v59 =	vld [tilespmem:s17+$0xDE80];
	v31 =	vpack.i.f32.bf16 v31, v31  }
0x1ba: {  	v36 =	vmul.bf16 v55, v31;
	v33 =	vadd.bf16 v57, v32  }
0x1bb: {  	v60 =	vbroadcast v51, $0xE;
	v39 =	vld [tilespmem:s17+$0xDF00];
	v32 =	vpack.i.f32.bf16 v58, v58  }
0x1bc: {  	v37 =	vmul.bf16 v56, v32;
	v36 =	vadd.bf16 v36, v33  }
0x1bd: {  	v34 =	vbroadcast v51, $0xF;
	v33 =	vpack.i.f32.bf16 v60, v60  }
0x1be: {  	v62 =	vmul.bf16 v59, v33;
	v61 =	vadd.bf16 v37, v36  }
0x1bf: {  	v34 =	vpack.i.f32.bf16 v34, v34  }
0x1c0: {  	v63 =	vmul.bf16 v39, v34;
	v35 =	vadd.bf16 v62, v61;
	_ =	sdelay $0x1  }
0x1c1: {  	s18 =	simm.s32 $0x10;
	s16 =	simm.s32 $0x80;
	v35 =	vadd.bf16 v63, v35  }
0x1c2: {  	s19 =	sand.u32 $0xC00, s16;
	s14 =	simm.s32 $0xE900;
	s7 =	sand.u32 $0x70, s18  }
0x1c3: {  	s13 =	sadd.s32 $0x1, s13;
	s15 =	sor.u32 s7, s19;
	s7 =	simm.s32 $0x20;
	[tilespmem:s14+$0x0] =	vst v35  }
.LBB2_5:
0x1c4: {  	p0 =	sne.s32 s7, $0x170;
	v35 =	vld [tilespmem:s15+$0xB780]  }
0x1c5: {  	v36 =	vld [tilespmem:s15+$0xB800];
	_ =	sdelay $0x1  }
0x1c6: {  	v37 =	vld [tilespmem:s15+$0xB880];
	_ =	sdelay $0x1  }
0x1c7: {  	v38 =	vld [tilespmem:s15+$0xB900]  }
0x1c8: {  	v35 =	vmul.bf16 v35, v3;
	v36 =	vmul.bf16 v36, v4  }
0x1c9: {  	v39 =	vld [tilespmem:s15+$0xB980]  }
0x1ca: {  	v35 =	vadd.bf16 v36, v35;
	v36 =	vmul.bf16 v37, v5  }
0x1cb: {  	v37 =	vld [tilespmem:s15+$0xBA00]  }
0x1cc: {  	v35 =	vadd.bf16 v36, v35;
	v36 =	vmul.bf16 v38, v6  }
0x1cd: {  	v38 =	vld [tilespmem:s15+$0xBA80]  }
0x1ce: {  	v35 =	vadd.bf16 v36, v35;
	v36 =	vmul.bf16 v39, v7  }
0x1cf: {  	v39 =	vld [tilespmem:s15+$0xBB00]  }
0x1d0: {  	v35 =	vadd.bf16 v36, v35;
	v36 =	vmul.bf16 v37, v8  }
0x1d1: {  	v37 =	vld [tilespmem:s15+$0xC380]  }
0x1d2: {  	v35 =	vadd.bf16 v36, v35;
	v36 =	vmul.bf16 v38, v9  }
0x1d3: {  	v38 =	vld [tilespmem:s15+$0xC400]  }
0x1d4: {  	v35 =	vadd.bf16 v36, v35;
	v36 =	vmul.bf16 v39, v10  }
0x1d5: {  	v39 =	vld [tilespmem:s15+$0xC480]  }
0x1d6: {  	v35 =	vadd.bf16 v36, v35;
	v36 =	vmul.bf16 v37, v11  }
0x1d7: {  	v37 =	vld [tilespmem:s15+$0xC500]  }
0x1d8: {  	v35 =	vadd.bf16 v36, v35;
	v36 =	vmul.bf16 v38, v12  }
0x1d9: {  	v38 =	vld [tilespmem:s15+$0xC580]  }
0x1da: {  	v35 =	vadd.bf16 v36, v35;
	v36 =	vmul.bf16 v39, v13  }
0x1db: {  	v39 =	vld [tilespmem:s15+$0xC600]  }
0x1dc: {  	v35 =	vadd.bf16 v36, v35;
	v36 =	vmul.bf16 v37, v14  }
0x1dd: {  	v37 =	vld [tilespmem:s15+$0xC680]  }
0x1de: {  	v35 =	vadd.bf16 v36, v35;
	v36 =	vmul.bf16 v38, v15  }
0x1df: {  	v38 =	vld [tilespmem:s15+$0xC700]  }
0x1e0: {  	v35 =	vadd.bf16 v36, v35;
	v36 =	vmul.bf16 v39, v16  }
0x1e1: {  	v39 =	vld [tilespmem:s15+$0xCF80]  }
0x1e2: {  	v35 =	vadd.bf16 v36, v35;
	v36 =	vmul.bf16 v37, v17  }
0x1e3: {  	v37 =	vld [tilespmem:s15+$0xD000]  }
0x1e4: {  	v35 =	vadd.bf16 v36, v35;
	v36 =	vmul.bf16 v38, v18  }
0x1e5: {  	v38 =	vld [tilespmem:s15+$0xD080]  }
0x1e6: {  	v35 =	vadd.bf16 v36, v35;
	v36 =	vmul.bf16 v39, v19  }
0x1e7: {  	v39 =	vld [tilespmem:s15+$0xD100]  }
0x1e8: {  	v35 =	vadd.bf16 v36, v35;
	v36 =	vmul.bf16 v37, v20  }
0x1e9: {  	v37 =	vld [tilespmem:s15+$0xD180]  }
0x1ea: {  	v35 =	vadd.bf16 v36, v35;
	v36 =	vmul.bf16 v38, v21  }
0x1eb: {  	v38 =	vld [tilespmem:s15+$0xD200]  }
0x1ec: {  	v35 =	vadd.bf16 v36, v35;
	v36 =	vmul.bf16 v39, v22  }
0x1ed: {  	v39 =	vld [tilespmem:s15+$0xD280]  }
0x1ee: {  	v35 =	vadd.bf16 v36, v35;
	v36 =	vmul.bf16 v37, v23  }
0x1ef: {  	v37 =	vld [tilespmem:s15+$0xD300]  }
0x1f0: {  	v35 =	vadd.bf16 v36, v35;
	v36 =	vmul.bf16 v38, v24  }
0x1f1: {  	v38 =	vld [tilespmem:s15+$0xDB80]  }
0x1f2: {  	v35 =	vadd.bf16 v36, v35;
	v36 =	vmul.bf16 v39, v25  }
0x1f3: {  	v39 =	vld [tilespmem:s15+$0xDC00]  }
0x1f4: {  	v35 =	vadd.bf16 v36, v35;
	v36 =	vmul.bf16 v37, v26  }
0x1f5: {  	v37 =	vld [tilespmem:s15+$0xDC80]  }
0x1f6: {  	v35 =	vadd.bf16 v36, v35;
	v36 =	vmul.bf16 v38, v27  }
0x1f7: {  	v38 =	vld [tilespmem:s15+$0xDD00]  }
0x1f8: {  	v35 =	vadd.bf16 v36, v35;
	v36 =	vmul.bf16 v39, v28  }
0x1f9: {  	v39 =	vld [tilespmem:s15+$0xDD80]  }
0x1fa: {  	v35 =	vadd.bf16 v36, v35;
	v36 =	vmul.bf16 v37, v29  }
0x1fb: {  	v37 =	vld [tilespmem:s15+$0xDE00]  }
0x1fc: {  	v35 =	vadd.bf16 v36, v35;
	v36 =	vmul.bf16 v38, v30  }
0x1fd: {  	v38 =	vld [tilespmem:s15+$0xDE80]  }
0x1fe: {  	v35 =	vadd.bf16 v36, v35;
	v36 =	vmul.bf16 v39, v31  }
0x1ff: {  	v39 =	vld [tilespmem:s15+$0xDF00]  }
0x200: {  	v35 =	vadd.bf16 v36, v35;
	v36 =	vmul.bf16 v37, v32;
	_ =	sdelay $0x1  }
0x201: {  	v35 =	vadd.bf16 v36, v35;
	v36 =	vmul.bf16 v38, v33;
	_ =	sdelay $0x1  }
.Ltmp1:
0x202: {  	v35 =	vadd.bf16 v36, v35;
	v36 =	vmul.bf16 v39, v34;
	(pc) =	sbr.rel @p0 .LBB2_5-.Ltmp1, $4  }
0x203: {  	_ = 	snop  }
0x204: {  	s16 =	sadd.s32 $0x80, s16;
	v35 =	vadd.bf16 v36, v35  }
0x205: {  	s9 =	sand.u32 $0x70, s7;
	s14 =	sadd.s32 $0x10, s14;
	s15 =	sand.u32 $0xC00, s16  }
0x206: {  	s7 =	sadd.s32 $0x10, s7;
	s15 =	sor.u32 s9, s15;
	[tilespmem:s14+$0x0] =	vst v35  }
0x207: {  	v35 =	vld [tilespmem:s15+$0xB780]  }
0x208: {  	v36 =	vld [tilespmem:s15+$0xB800];
	_ =	sdelay $0x1  }
0x209: {  	v37 =	vld [tilespmem:s15+$0xB880];
	_ =	sdelay $0x1  }
0x20a: {  	v38 =	vld [tilespmem:s15+$0xB900]  }
0x20b: {  	v3 =	vmul.bf16 v35, v3;
	v4 =	vmul.bf16 v36, v4  }
0x20c: {  	v45 =	vld [tilespmem:s15+$0xB980]  }
0x20d: {  	v46 =	vmul.bf16 v37, v5;
	v3 =	vadd.bf16 v4, v3  }
0x20e: {  	v47 =	vld [tilespmem:s15+$0xBA00]  }
0x20f: {  	v48 =	vmul.bf16 v38, v6;
	v3 =	vadd.bf16 v46, v3  }
0x210: {  	v49 =	vld [tilespmem:s15+$0xBA80]  }
0x211: {  	v50 =	vmul.bf16 v45, v7;
	v3 =	vadd.bf16 v48, v3  }
0x212: {  	v51 =	vld [tilespmem:s15+$0xBB00]  }
0x213: {  	v52 =	vmul.bf16 v47, v8;
	v3 =	vadd.bf16 v50, v3  }
0x214: {  	v53 =	vld [tilespmem:s15+$0xC380]  }
0x215: {  	v54 =	vmul.bf16 v49, v9;
	v3 =	vadd.bf16 v52, v3  }
0x216: {  	v55 =	vld [tilespmem:s15+$0xC400]  }
0x217: {  	v56 =	vmul.bf16 v51, v10;
	v3 =	vadd.bf16 v54, v3  }
0x218: {  	v57 =	vld [tilespmem:s15+$0xC480]  }
0x219: {  	v58 =	vmul.bf16 v53, v11;
	v3 =	vadd.bf16 v56, v3  }
0x21a: {  	v59 =	vld [tilespmem:s15+$0xC500]  }
0x21b: {  	v60 =	vmul.bf16 v55, v12;
	v3 =	vadd.bf16 v58, v3  }
0x21c: {  	v61 =	vld [tilespmem:s15+$0xC580]  }
0x21d: {  	v62 =	vmul.bf16 v57, v13;
	v3 =	vadd.bf16 v60, v3  }
0x21e: {  	v63 =	vld [tilespmem:s15+$0xC600]  }
0x21f: {  	v9 =	vmul.bf16 v59, v14;
	v3 =	vadd.bf16 v62, v3  }
0x220: {  	v10 =	vld [tilespmem:s15+$0xC680]  }
0x221: {  	v11 =	vmul.bf16 v61, v15;
	v3 =	vadd.bf16 v9, v3  }
0x222: {  	v12 =	vld [tilespmem:s15+$0xC700]  }
0x223: {  	v13 =	vmul.bf16 v63, v16;
	v3 =	vadd.bf16 v11, v3  }
0x224: {  	v14 =	vld [tilespmem:s15+$0xCF80]  }
0x225: {  	v15 =	vmul.bf16 v10, v17;
	v3 =	vadd.bf16 v13, v3  }
0x226: {  	v16 =	vld [tilespmem:s15+$0xD000]  }
0x227: {  	v17 =	vmul.bf16 v12, v18;
	v3 =	vadd.bf16 v15, v3  }
0x228: {  	v18 =	vld [tilespmem:s15+$0xD080]  }
0x229: {  	v35 =	vmul.bf16 v14, v19;
	v3 =	vadd.bf16 v17, v3  }
0x22a: {  	v36 =	vld [tilespmem:s15+$0xD100]  }
0x22b: {  	v37 =	vmul.bf16 v16, v20;
	v3 =	vadd.bf16 v35, v3  }
0x22c: {  	v38 =	vld [tilespmem:s15+$0xD180]  }
0x22d: {  	v39 =	vmul.bf16 v18, v21;
	v3 =	vadd.bf16 v37, v3  }
0x22e: {  	v40 =	vld [tilespmem:s15+$0xD200]  }
0x22f: {  	v41 =	vmul.bf16 v36, v22;
	v3 =	vadd.bf16 v39, v3  }
0x230: {  	v42 =	vld [tilespmem:s15+$0xD280]  }
0x231: {  	v43 =	vmul.bf16 v38, v23;
	v3 =	vadd.bf16 v41, v3  }
0x232: {  	v44 =	vld [tilespmem:s15+$0xD300]  }
0x233: {  	v45 =	vmul.bf16 v40, v24;
	v3 =	vadd.bf16 v43, v3  }
0x234: {  	v46 =	vld [tilespmem:s15+$0xDB80]  }
0x235: {  	v47 =	vmul.bf16 v42, v25;
	v3 =	vadd.bf16 v45, v3  }
0x236: {  	v48 =	vld [tilespmem:s15+$0xDC00]  }
0x237: {  	v49 =	vmul.bf16 v44, v26;
	v3 =	vadd.bf16 v47, v3  }
0x238: {  	v50 =	vld [tilespmem:s15+$0xDC80]  }
0x239: {  	v51 =	vmul.bf16 v46, v27;
	v3 =	vadd.bf16 v49, v3  }
0x23a: {  	v52 =	vld [tilespmem:s15+$0xDD00]  }
0x23b: {  	v53 =	vmul.bf16 v48, v28;
	v3 =	vadd.bf16 v51, v3  }
0x23c: {  	v54 =	vld [tilespmem:s15+$0xDD80]  }
0x23d: {  	v55 =	vmul.bf16 v50, v29;
	v3 =	vadd.bf16 v53, v3  }
0x23e: {  	v56 =	vld [tilespmem:s15+$0xDE00]  }
0x23f: {  	v57 =	vmul.bf16 v52, v30;
	v3 =	vadd.bf16 v55, v3  }
0x240: {  	v58 =	vld [tilespmem:s15+$0xDE80]  }
0x241: {  	v59 =	vmul.bf16 v54, v31;
	v3 =	vadd.bf16 v57, v3  }
0x242: {  	v60 =	vld [tilespmem:s15+$0xDF00]  }
0x243: {  	v61 =	vmul.bf16 v56, v32;
	v3 =	vadd.bf16 v59, v3;
	_ =	sdelay $0x1  }
0x244: {  	v62 =	vmul.bf16 v58, v33;
	v3 =	vadd.bf16 v61, v3;
	_ =	sdelay $0x1  }
0x245: {  	p0 =	sne.s32 s13, $0x40;
	v63 =	vmul.bf16 v60, v34;
	v3 =	vadd.bf16 v62, v3  }
.Ltmp2:
0x246: {  	s7 =	sadd.s32 s6, s12;
	(pc) =	sbr.rel @p0 .LBB2_2-.Ltmp2, $4  }
0x247: {  	s7 =	smul.u32 $0x30, s7;
	v3 =	vadd.bf16 v63, v3  }
0x248: {  	s9 =	sadd.s32 $0x10, s14  }
0x249: {  	s7 =	sadd.s32 s3, s7;
	[tilespmem:s9+$0x0] =	vst v3  }
0x24a: {  	[hbm4b:s7+s4] =	stream.linear.scatter [tilespmem:s0], [sflag:$0x4], $0x180, $0x38;
	[tilespmem:$0xEA80] =	vst v63  }
0x24b: {  	_ =	swait.ge [sflag:s2], $0x180  }
0x24c: {  	[sflag:s2] =	ssyncset.done $0x0  }
0x24d: {  	[sflag:s2] =	ssyncadd.s32 $0xFFFFFE80  }
0x24e: {  	_ =	swait.ge [sflag:s1], $0x180  }
0x24f: {  	s11 =	sadd.s32 $0x1, s11;
	s7 =	rddreg [dreg:$0x6]  }
0x250: {  	p0 =	sne.s32 s11, s7  }
.Ltmp3:
0x251: {  	_ = 	snop;
	(pc) =	sbr.rel @p0 .LBB2_1-.Ltmp3, $3  }
0x252: {  	_ =	sdelay $0x1  }
0x253: {  	[sflag:s1] =	ssyncset.done $0x0  }
0x254: {  	[sflag:s1] =	ssyncadd.s32 $0xFFFFFE80  }
0x255: {  	_ =	sfence.sel $0x180000  }
0x256: {  	[bflag:$0x0] =	sbarrier.arrive $0xFFFF  }
0x257: {  	_ =	strace $0x90000047  }
0x258: {  	s0 =	stileid.u32;
	[bflag:$0x2] =	sbarrier.arrive $0xFFFF  }
0x259: {  	p0 =	sne.s32 s0, $0x0;
	s0 =	rddreg [dreg:$0x4]  }
0x25a: {  	s0 =	sadd.s32 @!p0 $0x100000, s0  }
0x25b: {  	[sflag:s0] =	ssyncadd.tile.s32 @!p0 $0x1;
	_ =	shalt  }
.Lfunc_end2:
_tile_overlayer_lowered:
.L_overlay_start_2:
0x25c: {  	(tag) =	ssettag $0x2  }
0x25d: {  	s0 =	rddreg [dreg:$0x0];
	s2 =	stileid.u32  }
0x25e: {  	s1 =	rddreg [dreg:$0x1];
	p0 =	sne.s32 s2, $0x0  }
0x25f: {  	s3 =	rddreg [dreg:$0x2];
	[bflag:$0x3] =	sbarrier.arrive $0xFFFF;
	s2 =	simm.s32 @!p0 $0x1C05  }
0x260: {  	[timem:s3], [sflag:s2] =	dma.local @!p0 [hbm:s0], s1  }
0x261: {  	s0 =	simm.s32 @!p0 $0x5  }
0x262: {  	_ =	swait.ge @!p0 [sflag:s0], s1  }
0x263: {  	s1 =	ssub.s32 @!p0 $0x0, s1;
	[sflag:s0] =	ssyncset.done @!p0 $0x0  }
0x264: {  	[sflag:s0] =	ssyncadd.s32 @!p0 s1  }
0x265: {  	[bflag:$0x3] =	sbarrier.arrive $0xFFFF  }
0x266: {  	_ =	shalt  }

</sc_bundles>
